<compile_context>
chip_gen: v7x
topology: tpu7x:2x2x1
jax: 0.10.2.dev20260603
libtpu: 0.0.44.dev20260713+nightly
codegen_flags: <defaults>
</compile_context>

<pallas_src>
import functools

import jax
import jax.numpy as jnp
from jax import lax
from jax.experimental import pallas as pl
from jax.experimental.pallas import tpu as pltpu
from jax.experimental.pallas import tpu_sc as plsc

_VOCAB = 1000000
_DIM = 64
_BATCH = 16384
_HIST = 200
_NW = 32
_BPW = _BATCH // _NW
_NB = 4
_SPLITS = ((0, 104), (104, 96))
_NITER = _BPW // (2 * _NB)

_mesh = plsc.VectorSubcoreMesh(core_axis_name="c", subcore_axis_name="s")


@functools.partial(
    pl.kernel,
    mesh=_mesh,
    out_type=jax.ShapeDtypeStruct((_BATCH, _HIST, 2 * _DIM), jnp.float32),
    scratch_types=[
        pltpu.VMEM((2 * _NB, _HIST), jnp.int32),
        pltpu.VMEM((_NB, _HIST, _DIM), jnp.float32),
        pltpu.VMEM((_NB, _HIST, _DIM), jnp.float32),
        pltpu.SemaphoreType.DMA,
        pltpu.SemaphoreType.DMA,
        pltpu.SemaphoreType.DMA,
        pltpu.SemaphoreType.DMA,
    ],
    compiler_params=pltpu.CompilerParams(use_tc_tiling_on_sc=False),
)
def _embed_gather(x_hbm, table_hbm, out_hbm, idx_v, rows_a, rows_b,
                  sem_ga, sem_gb, sem_wa, sem_wb):
    wid = lax.axis_index("s") * 2 + lax.axis_index("c")
    b_base = wid * _BPW

    def fire_gathers(rows_buf, j0, sem):
        copies = []
        for j in range(_NB):
            for h, w in _SPLITS:
                copies.append(
                    pltpu.async_copy(
                        table_hbm.at[idx_v.at[j0 + j, pl.ds(h, w)]],
                        rows_buf.at[j, pl.ds(h, w)],
                        sem,
                    )
                )
        return copies

    def out_slice(b0):
        return out_hbm.at[pl.ds(b0, _NB), :, pl.ds(0, _DIM)]

    def body(g, carry):
        b0 = b_base + g * 2 * _NB
        pltpu.sync_copy(x_hbm.at[pl.ds(b0, 2 * _NB)], idx_v)

        out_a = out_slice(b0)
        out_b = out_slice(b0 + _NB)

        @pl.when(g > 0)
        def _():
            pltpu.make_async_copy(rows_a, out_a, sem_wa).wait()

        ga = fire_gathers(rows_a, 0, sem_ga)

        @pl.when(g > 0)
        def _():
            pltpu.make_async_copy(rows_b, out_b, sem_wb).wait()

        gb = fire_gathers(rows_b, _NB, sem_gb)

        for c in ga:
            c.wait()
        pltpu.async_copy(rows_a, out_a, sem_wa)
        for c in gb:
            c.wait()
        pltpu.async_copy(rows_b, out_b, sem_wb)
        return carry

    lax.fori_loop(0, _NITER, body, 0)

    last = b_base + (_NITER - 1) * 2 * _NB
    pltpu.make_async_copy(rows_a, out_slice(last), sem_wa).wait()
    pltpu.make_async_copy(rows_b, out_slice(last + _NB), sem_wb).wait()


def kernel(x, table):
    padded = _embed_gather(x, table)
    return padded[:, :, :_DIM]

# --- scband reference (transcript-rebuilt; emitter-appended) ---
"""Pipeline reference for scband-text-embedding-old-40922448396617 (READ-ONLY COPY).

The authoritative reference and input builder live on the scoring server;
editing this copy changes nothing except your own understanding.
"""

import jax, jax.numpy as jnp
import numpy as np

VOCAB = 1000000
EMBED_DIM = 64
BATCH = 16384
HIST_LEN = 200

def setup_inputs(seed: int = 0) -> dict:
    key = jax.random.key(seed)
    k1, k2 = jax.random.split(key)
    x = jax.random.randint(k1, (BATCH, HIST_LEN), 0, VOCAB, dtype=jnp.int32)
    # pretrained embedding table passed to __init__ as `embeding`
    table = jax.random.normal(k2, (VOCAB, EMBED_DIM), dtype=jnp.float32) * 0.02
    return {"x": x, "table": table}

def reference(x, table):
    # embedding lookup: self.embedding(x)
    out = jnp.take(table, x, axis=0)
    # dropout treated as identity (eval/inference mode for determinism)
    return out

if __name__ == "__main__":
    import jax
    _d = setup_inputs()
    print(jax.jit(kernel)(*tuple(_d.values())))

</pallas_src>

<mosaic_0001>
#map = affine_map<(d0, d1) -> (0, 0)>
#map1 = affine_map<(d0, d1) -> (0, 0, 0)>
module attributes {stable_mosaic.version = 14 : i64} {
  func.func @_embed_gather(%arg0: i32, %arg1: i32, %arg2: memref<16384x200xi32, #tpu.memory_space<hbm>>, %arg3: memref<1000000x64xf32, #tpu.memory_space<hbm>>, %arg4: memref<16384x200x128xf32, #tpu.memory_space<hbm>>, %arg5: memref<8x200xi32, #tpu.memory_space<vmem>>, %arg6: memref<4x200x64xf32, #tpu.memory_space<vmem>>, %arg7: memref<4x200x64xf32, #tpu.memory_space<vmem>>, %arg8: memref<!tpu.dma_semaphore, #tpu.memory_space<semaphore_mem>>, %arg9: memref<!tpu.dma_semaphore, #tpu.memory_space<semaphore_mem>>, %arg10: memref<!tpu.dma_semaphore, #tpu.memory_space<semaphore_mem>>, %arg11: memref<!tpu.dma_semaphore, #tpu.memory_space<semaphore_mem>>) attributes {dimension_semantics = [#tpu.dimension_semantics<core_parallel>, #tpu.dimension_semantics<subcore_parallel>], iteration_bounds = array<i64: 2, 16>, scalar_prefetch = 0 : i64, scratch_operands = 7 : i64, tpu.core_type = #tpu.core_type<sc_vector_subcore>, window_params = [{transform_indices = #map}, {transform_indices = #map}, {transform_indices = #map1}]} {
    %mul3A = arith.constant 2 : i32
    %mul3A_0 = arith.muli %arg1, %mul3A : i32
    %add3A = arith.addi %mul3A_0, %arg0 : i32
    %mul3A_1 = arith.constant 512 : i32
    %mul3A_2 = arith.muli %add3A, %mul3A_1 : i32
    %scan3A = arith.constant 0 : i32
    %scan3A_3 = arith.constant 0 : i32
    %scan3A_4 = arith.constant 64 : i32
    %scan3A_5 = arith.addi %scan3A_3, %scan3A_4 : i32
    %scan3A_6 = arith.constant 1 : i32
    scf.for %scan3A_23 = %scan3A_3 to %scan3A_5 step %scan3A_6  : i32 {
      %mul3A_24 = arith.constant 2 : i32
      %mul3A_25 = arith.muli %scan3A_23, %mul3A_24 : i32
      %mul3A_26 = arith.constant 4 : i32
      %mul3A_27 = arith.muli %mul3A_25, %mul3A_26 : i32
      %add3A_28 = arith.addi %mul3A_2, %mul3A_27 : i32
      "tpu.region"() ({
        %run_scoped3A = tpu.sem_alloc : memref<!tpu.dma_semaphore, #tpu.memory_space<semaphore_mem>>
        %dma_start3A_433 = arith.constant 0 : i32
        %dma_start3A_434 = tpu.memref_slice %arg2[%add3A_28, %dma_start3A_433] : memref<16384x200xi32, #tpu.memory_space<hbm>> -> memref<8x200xi32, #tpu.memory_space<hbm>>
        %dma_start3A_435 = arith.constant 0 : i32
        %dma_start3A_436 = tpu.memref_slice %arg2[%add3A_28, %dma_start3A_435] : memref<16384x200xi32, #tpu.memory_space<hbm>> -> memref<8x200xi32, #tpu.memory_space<hbm>>
        tpu.enqueue_dma source(%dma_start3A_436 : memref<8x200xi32, #tpu.memory_space<hbm>>) target(%arg5 : memref<8x200xi32, #tpu.memory_space<vmem>>) target_semaphore(%run_scoped3A : memref<!tpu.dma_semaphore, #tpu.memory_space<semaphore_mem>>)
        %dma_wait3A_437 = arith.constant 0 : i32
        %dma_wait3A_438 = tpu.memref_slice %arg2[%add3A_28, %dma_wait3A_437] : memref<16384x200xi32, #tpu.memory_space<hbm>> -> memref<8x200xi32, #tpu.memory_space<hbm>>
        %dma_wait3A_439 = arith.constant 0 : i32
        %dma_wait3A_440 = tpu.memref_slice %arg2[%add3A_28, %dma_wait3A_439] : memref<16384x200xi32, #tpu.memory_space<hbm>> -> memref<8x200xi32, #tpu.memory_space<hbm>>
        tpu.wait_dma2 semaphore(%run_scoped3A : memref<!tpu.dma_semaphore, #tpu.memory_space<semaphore_mem>>) src(%dma_wait3A_440 : memref<8x200xi32, #tpu.memory_space<hbm>>) dst(%arg5 : memref<8x200xi32, #tpu.memory_space<vmem>>)
        tpu.yield
      }) : () -> ()
      %add3A_29 = arith.constant 4 : i32
      %add3A_30 = arith.addi %add3A_28, %add3A_29 : i32
      %gt3A = arith.constant 0 : i32
      %gt3A_31 = arith.cmpi sgt, %scan3A_23, %gt3A : i32
      %convert_element_type3A = arith.extui %gt3A_31 : i1 to i32
      %cond3A = arith.constant 0 : i32
      %cond3A_32 = arith.cmpi ne, %convert_element_type3A, %cond3A : i32
      scf.if %cond3A_32 {
        %dma_wait3A_433 = arith.constant 0 : i32
        %dma_wait3A_434 = arith.constant 0 : i32
        %dma_wait3A_435 = tpu.memref_slice %arg4[%add3A_28, %dma_wait3A_433, %dma_wait3A_434] : memref<16384x200x128xf32, #tpu.memory_space<hbm>> -> memref<4x200x64xf32, #tpu.memory_space<hbm>>
        %dma_wait3A_436 = arith.constant 0 : i32
        %dma_wait3A_437 = arith.constant 0 : i32
        %dma_wait3A_438 = tpu.memref_slice %arg4[%add3A_28, %dma_wait3A_436, %dma_wait3A_437] : memref<16384x200x128xf32, #tpu.memory_space<hbm>> -> memref<4x200x64xf32, #tpu.memory_space<hbm>>
        tpu.wait_dma2 semaphore(%arg10 : memref<!tpu.dma_semaphore, #tpu.memory_space<semaphore_mem>>) src(%arg6 : memref<4x200x64xf32, #tpu.memory_space<vmem>>) dst(%dma_wait3A_438 : memref<4x200x64xf32, #tpu.memory_space<hbm>>)
      } else {
      }
      %dma_start3A = arith.constant 0 : i32
      %dma_start3A_33 = arith.constant 0 : i32
      %dma_start3A_34 = arith.constant 0 : i32
      %dma_start3A_35 = arith.constant 0 : i32
      %dma_start3A_36 = tpu.memref_slice %arg6[%dma_start3A_33, %dma_start3A_34, %dma_start3A_35] : memref<4x200x64xf32, #tpu.memory_space<vmem>> -> memref<1x104x64xf32, #tpu.memory_space<vmem>>
      %dma_start3A_37 = tpu.memref_squeeze %dma_start3A_36 : memref<1x104x64xf32, #tpu.memory_space<vmem>> -> memref<104x64xf32, #tpu.memory_space<vmem>>
      %dma_start3A_38 = arith.constant 0 : i32
      %dma_start3A_39 = tpu.memref_slice %arg5[%dma_start3A, %dma_start3A_38] : memref<8x200xi32, #tpu.memory_space<vmem>> -> memref<1x104xi32, #tpu.memory_space<vmem>>
      %dma_start3A_40 = tpu.memref_squeeze %dma_start3A_39 : memref<1x104xi32, #tpu.memory_space<vmem>> -> memref<104xi32, #tpu.memory_space<vmem>>
      %dma_start3A_41 = arith.constant 0 : i32
      %dma_start3A_42 = arith.constant 0 : i32
      %dma_start3A_43 = tpu.memref_slice %arg3[%dma_start3A_41, %dma_start3A_42] : memref<1000000x64xf32, #tpu.memory_space<hbm>> -> memref<1000000x64xf32, #tpu.memory_space<hbm>>
      tpu.enqueue_indirect_dma source(%dma_start3A_43 : memref<1000000x64xf32, #tpu.memory_space<hbm>>) target(%dma_start3A_37 : memref<104x64xf32, #tpu.memory_space<vmem>>) offsets(%dma_start3A_40 : memref<104xi32, #tpu.memory_space<vmem>>) semaphore(%arg8 : memref<!tpu.dma_semaphore, #tpu.memory_space<semaphore_mem>>)
      %dma_start3A_44 = arith.constant 0 : i32
      %dma_start3A_45 = arith.constant 0 : i32
      %dma_start3A_46 = arith.constant 104 : i32
      %dma_start3A_47 = arith.constant 0 : i32
      %dma_start3A_48 = tpu.memref_slice %arg6[%dma_start3A_45, %dma_start3A_46, %dma_start3A_47] : memref<4x200x64xf32, #tpu.memory_space<vmem>> -> memref<1x96x64xf32, #tpu.memory_space<vmem>>
      %dma_start3A_49 = tpu.memref_squeeze %dma_start3A_48 : memref<1x96x64xf32, #tpu.memory_space<vmem>> -> memref<96x64xf32, #tpu.memory_space<vmem>>
      %dma_start3A_50 = arith.constant 104 : i32
      %dma_start3A_51 = tpu.memref_slice %arg5[%dma_start3A_44, %dma_start3A_50] : memref<8x200xi32, #tpu.memory_space<vmem>> -> memref<1x96xi32, #tpu.memory_space<vmem>>
      %dma_start3A_52 = tpu.memref_squeeze %dma_start3A_51 : memref<1x96xi32, #tpu.memory_space<vmem>> -> memref<96xi32, #tpu.memory_space<vmem>>
      %dma_start3A_53 = arith.constant 0 : i32
      %dma_start3A_54 = arith.constant 0 : i32
      %dma_start3A_55 = tpu.memref_slice %arg3[%dma_start3A_53, %dma_start3A_54] : memref<1000000x64xf32, #tpu.memory_space<hbm>> -> memref<1000000x64xf32, #tpu.memory_space<hbm>>
      tpu.enqueue_indirect_dma source(%dma_start3A_55 : memref<1000000x64xf32, #tpu.memory_space<hbm>>) target(%dma_start3A_49 : memref<96x64xf32, #tpu.memory_space<vmem>>) offsets(%dma_start3A_52 : memref<96xi32, #tpu.memory_space<vmem>>) semaphore(%arg8 : memref<!tpu.dma_semaphore, #tpu.memory_space<semaphore_mem>>)
      %dma_start3A_56 = arith.constant 1 : i32
      %dma_start3A_57 = arith.constant 1 : i32
      %dma_start3A_58 = arith.constant 0 : i32
      %dma_start3A_59 = arith.constant 0 : i32
      %dma_start3A_60 = tpu.memref_slice %arg6[%dma_start3A_57, %dma_start3A_58, %dma_start3A_59] : memref<4x200x64xf32, #tpu.memory_space<vmem>> -> memref<1x104x64xf32, #tpu.memory_space<vmem>>
      %dma_start3A_61 = tpu.memref_squeeze %dma_start3A_60 : memref<1x104x64xf32, #tpu.memory_space<vmem>> -> memref<104x64xf32, #tpu.memory_space<vmem>>
      %dma_start3A_62 = arith.constant 0 : i32
      %dma_start3A_63 = tpu.memref_slice %arg5[%dma_start3A_56, %dma_start3A_62] : memref<8x200xi32, #tpu.memory_space<vmem>> -> memref<1x104xi32, #tpu.memory_space<vmem>>
      %dma_start3A_64 = tpu.memref_squeeze %dma_start3A_63 : memref<1x104xi32, #tpu.memory_space<vmem>> -> memref<104xi32, #tpu.memory_space<vmem>>
      %dma_start3A_65 = arith.constant 0 : i32
      %dma_start3A_66 = arith.constant 0 : i32
      %dma_start3A_67 = tpu.memref_slice %arg3[%dma_start3A_65, %dma_start3A_66] : memref<1000000x64xf32, #tpu.memory_space<hbm>> -> memref<1000000x64xf32, #tpu.memory_space<hbm>>
      tpu.enqueue_indirect_dma source(%dma_start3A_67 : memref<1000000x64xf32, #tpu.memory_space<hbm>>) target(%dma_start3A_61 : memref<104x64xf32, #tpu.memory_space<vmem>>) offsets(%dma_start3A_64 : memref<104xi32, #tpu.memory_space<vmem>>) semaphore(%arg8 : memref<!tpu.dma_semaphore, #tpu.memory_space<semaphore_mem>>)
      %dma_start3A_68 = arith.constant 1 : i32
      %dma_start3A_69 = arith.constant 1 : i32
      %dma_start3A_70 = arith.constant 104 : i32
      %dma_start3A_71 = arith.constant 0 : i32
      %dma_start3A_72 = tpu.memref_slice %arg6[%dma_start3A_69, %dma_start3A_70, %dma_start3A_71] : memref<4x200x64xf32, #tpu.memory_space<vmem>> -> memref<1x96x64xf32, #tpu.memory_space<vmem>>
      %dma_start3A_73 = tpu.memref_squeeze %dma_start3A_72 : memref<1x96x64xf32, #tpu.memory_space<vmem>> -> memref<96x64xf32, #tpu.memory_space<vmem>>
      %dma_start3A_74 = arith.constant 104 : i32
      %dma_start3A_75 = tpu.memref_slice %arg5[%dma_start3A_68, %dma_start3A_74] : memref<8x200xi32, #tpu.memory_space<vmem>> -> memref<1x96xi32, #tpu.memory_space<vmem>>
      %dma_start3A_76 = tpu.memref_squeeze %dma_start3A_75 : memref<1x96xi32, #tpu.memory_space<vmem>> -> memref<96xi32, #tpu.memory_space<vmem>>
      %dma_start3A_77 = arith.constant 0 : i32
      %dma_start3A_78 = arith.constant 0 : i32
      %dma_start3A_79 = tpu.memref_slice %arg3[%dma_start3A_77, %dma_start3A_78] : memref<1000000x64xf32, #tpu.memory_space<hbm>> -> memref<1000000x64xf32, #tpu.memory_space<hbm>>
      tpu.enqueue_indirect_dma source(%dma_start3A_79 : memref<1000000x64xf32, #tpu.memory_space<hbm>>) target(%dma_start3A_73 : memref<96x64xf32, #tpu.memory_space<vmem>>) offsets(%dma_start3A_76 : memref<96xi32, #tpu.memory_space<vmem>>) semaphore(%arg8 : memref<!tpu.dma_semaphore, #tpu.memory_space<semaphore_mem>>)
      %dma_start3A_80 = arith.constant 2 : i32
      %dma_start3A_81 = arith.constant 2 : i32
      %dma_start3A_82 = arith.constant 0 : i32
      %dma_start3A_83 = arith.constant 0 : i32
      %dma_start3A_84 = tpu.memref_slice %arg6[%dma_start3A_81, %dma_start3A_82, %dma_start3A_83] : memref<4x200x64xf32, #tpu.memory_space<vmem>> -> memref<1x104x64xf32, #tpu.memory_space<vmem>>
      %dma_start3A_85 = tpu.memref_squeeze %dma_start3A_84 : memref<1x104x64xf32, #tpu.memory_space<vmem>> -> memref<104x64xf32, #tpu.memory_space<vmem>>
      %dma_start3A_86 = arith.constant 0 : i32
      %dma_start3A_87 = tpu.memref_slice %arg5[%dma_start3A_80, %dma_start3A_86] : memref<8x200xi32, #tpu.memory_space<vmem>> -> memref<1x104xi32, #tpu.memory_space<vmem>>
      %dma_start3A_88 = tpu.memref_squeeze %dma_start3A_87 : memref<1x104xi32, #tpu.memory_space<vmem>> -> memref<104xi32, #tpu.memory_space<vmem>>
      %dma_start3A_89 = arith.constant 0 : i32
      %dma_start3A_90 = arith.constant 0 : i32
      %dma_start3A_91 = tpu.memref_slice %arg3[%dma_start3A_89, %dma_start3A_90] : memref<1000000x64xf32, #tpu.memory_space<hbm>> -> memref<1000000x64xf32, #tpu.memory_space<hbm>>
      tpu.enqueue_indirect_dma source(%dma_start3A_91 : memref<1000000x64xf32, #tpu.memory_space<hbm>>) target(%dma_start3A_85 : memref<104x64xf32, #tpu.memory_space<vmem>>) offsets(%dma_start3A_88 : memref<104xi32, #tpu.memory_space<vmem>>) semaphore(%arg8 : memref<!tpu.dma_semaphore, #tpu.memory_space<semaphore_mem>>)
      %dma_start3A_92 = arith.constant 2 : i32
      %dma_start3A_93 = arith.constant 2 : i32
      %dma_start3A_94 = arith.constant 104 : i32
      %dma_start3A_95 = arith.constant 0 : i32
      %dma_start3A_96 = tpu.memref_slice %arg6[%dma_start3A_93, %dma_start3A_94, %dma_start3A_95] : memref<4x200x64xf32, #tpu.memory_space<vmem>> -> memref<1x96x64xf32, #tpu.memory_space<vmem>>
      %dma_start3A_97 = tpu.memref_squeeze %dma_start3A_96 : memref<1x96x64xf32, #tpu.memory_space<vmem>> -> memref<96x64xf32, #tpu.memory_space<vmem>>
      %dma_start3A_98 = arith.constant 104 : i32
      %dma_start3A_99 = tpu.memref_slice %arg5[%dma_start3A_92, %dma_start3A_98] : memref<8x200xi32, #tpu.memory_space<vmem>> -> memref<1x96xi32, #tpu.memory_space<vmem>>
      %dma_start3A_100 = tpu.memref_squeeze %dma_start3A_99 : memref<1x96xi32, #tpu.memory_space<vmem>> -> memref<96xi32, #tpu.memory_space<vmem>>
      %dma_start3A_101 = arith.constant 0 : i32
      %dma_start3A_102 = arith.constant 0 : i32
      %dma_start3A_103 = tpu.memref_slice %arg3[%dma_start3A_101, %dma_start3A_102] : memref<1000000x64xf32, #tpu.memory_space<hbm>> -> memref<1000000x64xf32, #tpu.memory_space<hbm>>
      tpu.enqueue_indirect_dma source(%dma_start3A_103 : memref<1000000x64xf32, #tpu.memory_space<hbm>>) target(%dma_start3A_97 : memref<96x64xf32, #tpu.memory_space<vmem>>) offsets(%dma_start3A_100 : memref<96xi32, #tpu.memory_space<vmem>>) semaphore(%arg8 : memref<!tpu.dma_semaphore, #tpu.memory_space<semaphore_mem>>)
      %dma_start3A_104 = arith.constant 3 : i32
      %dma_start3A_105 = arith.constant 3 : i32
      %dma_start3A_106 = arith.constant 0 : i32
      %dma_start3A_107 = arith.constant 0 : i32
      %dma_start3A_108 = tpu.memref_slice %arg6[%dma_start3A_105, %dma_start3A_106, %dma_start3A_107] : memref<4x200x64xf32, #tpu.memory_space<vmem>> -> memref<1x104x64xf32, #tpu.memory_space<vmem>>
      %dma_start3A_109 = tpu.memref_squeeze %dma_start3A_108 : memref<1x104x64xf32, #tpu.memory_space<vmem>> -> memref<104x64xf32, #tpu.memory_space<vmem>>
      %dma_start3A_110 = arith.constant 0 : i32
      %dma_start3A_111 = tpu.memref_slice %arg5[%dma_start3A_104, %dma_start3A_110] : memref<8x200xi32, #tpu.memory_space<vmem>> -> memref<1x104xi32, #tpu.memory_space<vmem>>
      %dma_start3A_112 = tpu.memref_squeeze %dma_start3A_111 : memref<1x104xi32, #tpu.memory_space<vmem>> -> memref<104xi32, #tpu.memory_space<vmem>>
      %dma_start3A_113 = arith.constant 0 : i32
      %dma_start3A_114 = arith.constant 0 : i32
      %dma_start3A_115 = tpu.memref_slice %arg3[%dma_start3A_113, %dma_start3A_114] : memref<1000000x64xf32, #tpu.memory_space<hbm>> -> memref<1000000x64xf32, #tpu.memory_space<hbm>>
      tpu.enqueue_indirect_dma source(%dma_start3A_115 : memref<1000000x64xf32, #tpu.memory_space<hbm>>) target(%dma_start3A_109 : memref<104x64xf32, #tpu.memory_space<vmem>>) offsets(%dma_start3A_112 : memref<104xi32, #tpu.memory_space<vmem>>) semaphore(%arg8 : memref<!tpu.dma_semaphore, #tpu.memory_space<semaphore_mem>>)
      %dma_start3A_116 = arith.constant 3 : i32
      %dma_start3A_117 = arith.constant 3 : i32
      %dma_start3A_118 = arith.constant 104 : i32
      %dma_start3A_119 = arith.constant 0 : i32
      %dma_start3A_120 = tpu.memref_slice %arg6[%dma_start3A_117, %dma_start3A_118, %dma_start3A_119] : memref<4x200x64xf32, #tpu.memory_space<vmem>> -> memref<1x96x64xf32, #tpu.memory_space<vmem>>
      %dma_start3A_121 = tpu.memref_squeeze %dma_start3A_120 : memref<1x96x64xf32, #tpu.memory_space<vmem>> -> memref<96x64xf32, #tpu.memory_space<vmem>>
      %dma_start3A_122 = arith.constant 104 : i32
      %dma_start3A_123 = tpu.memref_slice %arg5[%dma_start3A_116, %dma_start3A_122] : memref<8x200xi32, #tpu.memory_space<vmem>> -> memref<1x96xi32, #tpu.memory_space<vmem>>
      %dma_start3A_124 = tpu.memref_squeeze %dma_start3A_123 : memref<1x96xi32, #tpu.memory_space<vmem>> -> memref<96xi32, #tpu.memory_space<vmem>>
      %dma_start3A_125 = arith.constant 0 : i32
      %dma_start3A_126 = arith.constant 0 : i32
      %dma_start3A_127 = tpu.memref_slice %arg3[%dma_start3A_125, %dma_start3A_126] : memref<1000000x64xf32, #tpu.memory_space<hbm>> -> memref<1000000x64xf32, #tpu.memory_space<hbm>>
      tpu.enqueue_indirect_dma source(%dma_start3A_127 : memref<1000000x64xf32, #tpu.memory_space<hbm>>) target(%dma_start3A_121 : memref<96x64xf32, #tpu.memory_space<vmem>>) offsets(%dma_start3A_124 : memref<96xi32, #tpu.memory_space<vmem>>) semaphore(%arg8 : memref<!tpu.dma_semaphore, #tpu.memory_space<semaphore_mem>>)
      %gt3A_128 = arith.constant 0 : i32
      %gt3A_129 = arith.cmpi sgt, %scan3A_23, %gt3A_128 : i32
      %convert_element_type3A_130 = arith.extui %gt3A_129 : i1 to i32
      %cond3A_131 = arith.constant 0 : i32
      %cond3A_132 = arith.cmpi ne, %convert_element_type3A_130, %cond3A_131 : i32
      scf.if %cond3A_132 {
        %dma_wait3A_433 = arith.constant 0 : i32
        %dma_wait3A_434 = arith.constant 0 : i32
        %dma_wait3A_435 = tpu.memref_slice %arg4[%add3A_30, %dma_wait3A_433, %dma_wait3A_434] : memref<16384x200x128xf32, #tpu.memory_space<hbm>> -> memref<4x200x64xf32, #tpu.memory_space<hbm>>
        %dma_wait3A_436 = arith.constant 0 : i32
        %dma_wait3A_437 = arith.constant 0 : i32
        %dma_wait3A_438 = tpu.memref_slice %arg4[%add3A_30, %dma_wait3A_436, %dma_wait3A_437] : memref<16384x200x128xf32, #tpu.memory_space<hbm>> -> memref<4x200x64xf32, #tpu.memory_space<hbm>>
        tpu.wait_dma2 semaphore(%arg11 : memref<!tpu.dma_semaphore, #tpu.memory_space<semaphore_mem>>) src(%arg7 : memref<4x200x64xf32, #tpu.memory_space<vmem>>) dst(%dma_wait3A_438 : memref<4x200x64xf32, #tpu.memory_space<hbm>>)
      } else {
      }
      %dma_start3A_133 = arith.constant 4 : i32
      %dma_start3A_134 = arith.constant 0 : i32
      %dma_start3A_135 = arith.constant 0 : i32
      %dma_start3A_136 = arith.constant 0 : i32
      %dma_start3A_137 = tpu.memref_slice %arg7[%dma_start3A_134, %dma_start3A_135, %dma_start3A_136] : memref<4x200x64xf32, #tpu.memory_space<vmem>> -> memref<1x104x64xf32, #tpu.memory_space<vmem>>
      %dma_start3A_138 = tpu.memref_squeeze %dma_start3A_137 : memref<1x104x64xf32, #tpu.memory_space<vmem>> -> memref<104x64xf32, #tpu.memory_space<vmem>>
      %dma_start3A_139 = arith.constant 0 : i32
      %dma_start3A_140 = tpu.memref_slice %arg5[%dma_start3A_133, %dma_start3A_139] : memref<8x200xi32, #tpu.memory_space<vmem>> -> memref<1x104xi32, #tpu.memory_space<vmem>>
      %dma_start3A_141 = tpu.memref_squeeze %dma_start3A_140 : memref<1x104xi32, #tpu.memory_space<vmem>> -> memref<104xi32, #tpu.memory_space<vmem>>
      %dma_start3A_142 = arith.constant 0 : i32
      %dma_start3A_143 = arith.constant 0 : i32
      %dma_start3A_144 = tpu.memref_slice %arg3[%dma_start3A_142, %dma_start3A_143] : memref<1000000x64xf32, #tpu.memory_space<hbm>> -> memref<1000000x64xf32, #tpu.memory_space<hbm>>
      tpu.enqueue_indirect_dma source(%dma_start3A_144 : memref<1000000x64xf32, #tpu.memory_space<hbm>>) target(%dma_start3A_138 : memref<104x64xf32, #tpu.memory_space<vmem>>) offsets(%dma_start3A_141 : memref<104xi32, #tpu.memory_space<vmem>>) semaphore(%arg9 : memref<!tpu.dma_semaphore, #tpu.memory_space<semaphore_mem>>)
      %dma_start3A_145 = arith.constant 4 : i32
      %dma_start3A_146 = arith.constant 0 : i32
      %dma_start3A_147 = arith.constant 104 : i32
      %dma_start3A_148 = arith.constant 0 : i32
      %dma_start3A_149 = tpu.memref_slice %arg7[%dma_start3A_146, %dma_start3A_147, %dma_start3A_148] : memref<4x200x64xf32, #tpu.memory_space<vmem>> -> memref<1x96x64xf32, #tpu.memory_space<vmem>>
      %dma_start3A_150 = tpu.memref_squeeze %dma_start3A_149 : memref<1x96x64xf32, #tpu.memory_space<vmem>> -> memref<96x64xf32, #tpu.memory_space<vmem>>
      %dma_start3A_151 = arith.constant 104 : i32
      %dma_start3A_152 = tpu.memref_slice %arg5[%dma_start3A_145, %dma_start3A_151] : memref<8x200xi32, #tpu.memory_space<vmem>> -> memref<1x96xi32, #tpu.memory_space<vmem>>
      %dma_start3A_153 = tpu.memref_squeeze %dma_start3A_152 : memref<1x96xi32, #tpu.memory_space<vmem>> -> memref<96xi32, #tpu.memory_space<vmem>>
      %dma_start3A_154 = arith.constant 0 : i32
      %dma_start3A_155 = arith.constant 0 : i32
      %dma_start3A_156 = tpu.memref_slice %arg3[%dma_start3A_154, %dma_start3A_155] : memref<1000000x64xf32, #tpu.memory_space<hbm>> -> memref<1000000x64xf32, #tpu.memory_space<hbm>>
      tpu.enqueue_indirect_dma source(%dma_start3A_156 : memref<1000000x64xf32, #tpu.memory_space<hbm>>) target(%dma_start3A_150 : memref<96x64xf32, #tpu.memory_space<vmem>>) offsets(%dma_start3A_153 : memref<96xi32, #tpu.memory_space<vmem>>) semaphore(%arg9 : memref<!tpu.dma_semaphore, #tpu.memory_space<semaphore_mem>>)
      %dma_start3A_157 = arith.constant 5 : i32
      %dma_start3A_158 = arith.constant 1 : i32
      %dma_start3A_159 = arith.constant 0 : i32
      %dma_start3A_160 = arith.constant 0 : i32
      %dma_start3A_161 = tpu.memref_slice %arg7[%dma_start3A_158, %dma_start3A_159, %dma_start3A_160] : memref<4x200x64xf32, #tpu.memory_space<vmem>> -> memref<1x104x64xf32, #tpu.memory_space<vmem>>
      %dma_start3A_162 = tpu.memref_squeeze %dma_start3A_161 : memref<1x104x64xf32, #tpu.memory_space<vmem>> -> memref<104x64xf32, #tpu.memory_space<vmem>>
      %dma_start3A_163 = arith.constant 0 : i32
      %dma_start3A_164 = tpu.memref_slice %arg5[%dma_start3A_157, %dma_start3A_163] : memref<8x200xi32, #tpu.memory_space<vmem>> -> memref<1x104xi32, #tpu.memory_space<vmem>>
      %dma_start3A_165 = tpu.memref_squeeze %dma_start3A_164 : memref<1x104xi32, #tpu.memory_space<vmem>> -> memref<104xi32, #tpu.memory_space<vmem>>
      %dma_start3A_166 = arith.constant 0 : i32
      %dma_start3A_167 = arith.constant 0 : i32
      %dma_start3A_168 = tpu.memref_slice %arg3[%dma_start3A_166, %dma_start3A_167] : memref<1000000x64xf32, #tpu.memory_space<hbm>> -> memref<1000000x64xf32, #tpu.memory_space<hbm>>
      tpu.enqueue_indirect_dma source(%dma_start3A_168 : memref<1000000x64xf32, #tpu.memory_space<hbm>>) target(%dma_start3A_162 : memref<104x64xf32, #tpu.memory_space<vmem>>) offsets(%dma_start3A_165 : memref<104xi32, #tpu.memory_space<vmem>>) semaphore(%arg9 : memref<!tpu.dma_semaphore, #tpu.memory_space<semaphore_mem>>)
      %dma_start3A_169 = arith.constant 5 : i32
      %dma_start3A_170 = arith.constant 1 : i32
      %dma_start3A_171 = arith.constant 104 : i32
      %dma_start3A_172 = arith.constant 0 : i32
      %dma_start3A_173 = tpu.memref_slice %arg7[%dma_start3A_170, %dma_start3A_171, %dma_start3A_172] : memref<4x200x64xf32, #tpu.memory_space<vmem>> -> memref<1x96x64xf32, #tpu.memory_space<vmem>>
      %dma_start3A_174 = tpu.memref_squeeze %dma_start3A_173 : memref<1x96x64xf32, #tpu.memory_space<vmem>> -> memref<96x64xf32, #tpu.memory_space<vmem>>
      %dma_start3A_175 = arith.constant 104 : i32
      %dma_start3A_176 = tpu.memref_slice %arg5[%dma_start3A_169, %dma_start3A_175] : memref<8x200xi32, #tpu.memory_space<vmem>> -> memref<1x96xi32, #tpu.memory_space<vmem>>
      %dma_start3A_177 = tpu.memref_squeeze %dma_start3A_176 : memref<1x96xi32, #tpu.memory_space<vmem>> -> memref<96xi32, #tpu.memory_space<vmem>>
      %dma_start3A_178 = arith.constant 0 : i32
      %dma_start3A_179 = arith.constant 0 : i32
      %dma_start3A_180 = tpu.memref_slice %arg3[%dma_start3A_178, %dma_start3A_179] : memref<1000000x64xf32, #tpu.memory_space<hbm>> -> memref<1000000x64xf32, #tpu.memory_space<hbm>>
      tpu.enqueue_indirect_dma source(%dma_start3A_180 : memref<1000000x64xf32, #tpu.memory_space<hbm>>) target(%dma_start3A_174 : memref<96x64xf32, #tpu.memory_space<vmem>>) offsets(%dma_start3A_177 : memref<96xi32, #tpu.memory_space<vmem>>) semaphore(%arg9 : memref<!tpu.dma_semaphore, #tpu.memory_space<semaphore_mem>>)
      %dma_start3A_181 = arith.constant 6 : i32
      %dma_start3A_182 = arith.constant 2 : i32
      %dma_start3A_183 = arith.constant 0 : i32
      %dma_start3A_184 = arith.constant 0 : i32
      %dma_start3A_185 = tpu.memref_slice %arg7[%dma_start3A_182, %dma_start3A_183, %dma_start3A_184] : memref<4x200x64xf32, #tpu.memory_space<vmem>> -> memref<1x104x64xf32, #tpu.memory_space<vmem>>
      %dma_start3A_186 = tpu.memref_squeeze %dma_start3A_185 : memref<1x104x64xf32, #tpu.memory_space<vmem>> -> memref<104x64xf32, #tpu.memory_space<vmem>>
      %dma_start3A_187 = arith.constant 0 : i32
      %dma_start3A_188 = tpu.memref_slice %arg5[%dma_start3A_181, %dma_start3A_187] : memref<8x200xi32, #tpu.memory_space<vmem>> -> memref<1x104xi32, #tpu.memory_space<vmem>>
      %dma_start3A_189 = tpu.memref_squeeze %dma_start3A_188 : memref<1x104xi32, #tpu.memory_space<vmem>> -> memref<104xi32, #tpu.memory_space<vmem>>
      %dma_start3A_190 = arith.constant 0 : i32
      %dma_start3A_191 = arith.constant 0 : i32
      %dma_start3A_192 = tpu.memref_slice %arg3[%dma_start3A_190, %dma_start3A_191] : memref<1000000x64xf32, #tpu.memory_space<hbm>> -> memref<1000000x64xf32, #tpu.memory_space<hbm>>
      tpu.enqueue_indirect_dma source(%dma_start3A_192 : memref<1000000x64xf32, #tpu.memory_space<hbm>>) target(%dma_start3A_186 : memref<104x64xf32, #tpu.memory_space<vmem>>) offsets(%dma_start3A_189 : memref<104xi32, #tpu.memory_space<vmem>>) semaphore(%arg9 : memref<!tpu.dma_semaphore, #tpu.memory_space<semaphore_mem>>)
      %dma_start3A_193 = arith.constant 6 : i32
      %dma_start3A_194 = arith.constant 2 : i32
      %dma_start3A_195 = arith.constant 104 : i32
      %dma_start3A_196 = arith.constant 0 : i32
      %dma_start3A_197 = tpu.memref_slice %arg7[%dma_start3A_194, %dma_start3A_195, %dma_start3A_196] : memref<4x200x64xf32, #tpu.memory_space<vmem>> -> memref<1x96x64xf32, #tpu.memory_space<vmem>>
      %dma_start3A_198 = tpu.memref_squeeze %dma_start3A_197 : memref<1x96x64xf32, #tpu.memory_space<vmem>> -> memref<96x64xf32, #tpu.memory_space<vmem>>
      %dma_start3A_199 = arith.constant 104 : i32
      %dma_start3A_200 = tpu.memref_slice %arg5[%dma_start3A_193, %dma_start3A_199] : memref<8x200xi32, #tpu.memory_space<vmem>> -> memref<1x96xi32, #tpu.memory_space<vmem>>
      %dma_start3A_201 = tpu.memref_squeeze %dma_start3A_200 : memref<1x96xi32, #tpu.memory_space<vmem>> -> memref<96xi32, #tpu.memory_space<vmem>>
      %dma_start3A_202 = arith.constant 0 : i32
      %dma_start3A_203 = arith.constant 0 : i32
      %dma_start3A_204 = tpu.memref_slice %arg3[%dma_start3A_202, %dma_start3A_203] : memref<1000000x64xf32, #tpu.memory_space<hbm>> -> memref<1000000x64xf32, #tpu.memory_space<hbm>>
      tpu.enqueue_indirect_dma source(%dma_start3A_204 : memref<1000000x64xf32, #tpu.memory_space<hbm>>) target(%dma_start3A_198 : memref<96x64xf32, #tpu.memory_space<vmem>>) offsets(%dma_start3A_201 : memref<96xi32, #tpu.memory_space<vmem>>) semaphore(%arg9 : memref<!tpu.dma_semaphore, #tpu.memory_space<semaphore_mem>>)
      %dma_start3A_205 = arith.constant 7 : i32
      %dma_start3A_206 = arith.constant 3 : i32
      %dma_start3A_207 = arith.constant 0 : i32
      %dma_start3A_208 = arith.constant 0 : i32
      %dma_start3A_209 = tpu.memref_slice %arg7[%dma_start3A_206, %dma_start3A_207, %dma_start3A_208] : memref<4x200x64xf32, #tpu.memory_space<vmem>> -> memref<1x104x64xf32, #tpu.memory_space<vmem>>
      %dma_start3A_210 = tpu.memref_squeeze %dma_start3A_209 : memref<1x104x64xf32, #tpu.memory_space<vmem>> -> memref<104x64xf32, #tpu.memory_space<vmem>>
      %dma_start3A_211 = arith.constant 0 : i32
      %dma_start3A_212 = tpu.memref_slice %arg5[%dma_start3A_205, %dma_start3A_211] : memref<8x200xi32, #tpu.memory_space<vmem>> -> memref<1x104xi32, #tpu.memory_space<vmem>>
      %dma_start3A_213 = tpu.memref_squeeze %dma_start3A_212 : memref<1x104xi32, #tpu.memory_space<vmem>> -> memref<104xi32, #tpu.memory_space<vmem>>
      %dma_start3A_214 = arith.constant 0 : i32
      %dma_start3A_215 = arith.constant 0 : i32
      %dma_start3A_216 = tpu.memref_slice %arg3[%dma_start3A_214, %dma_start3A_215] : memref<1000000x64xf32, #tpu.memory_space<hbm>> -> memref<1000000x64xf32, #tpu.memory_space<hbm>>
      tpu.enqueue_indirect_dma source(%dma_start3A_216 : memref<1000000x64xf32, #tpu.memory_space<hbm>>) target(%dma_start3A_210 : memref<104x64xf32, #tpu.memory_space<vmem>>) offsets(%dma_start3A_213 : memref<104xi32, #tpu.memory_space<vmem>>) semaphore(%arg9 : memref<!tpu.dma_semaphore, #tpu.memory_space<semaphore_mem>>)
      %dma_start3A_217 = arith.constant 7 : i32
      %dma_start3A_218 = arith.constant 3 : i32
      %dma_start3A_219 = arith.constant 104 : i32
      %dma_start3A_220 = arith.constant 0 : i32
      %dma_start3A_221 = tpu.memref_slice %arg7[%dma_start3A_218, %dma_start3A_219, %dma_start3A_220] : memref<4x200x64xf32, #tpu.memory_space<vmem>> -> memref<1x96x64xf32, #tpu.memory_space<vmem>>
      %dma_start3A_222 = tpu.memref_squeeze %dma_start3A_221 : memref<1x96x64xf32, #tpu.memory_space<vmem>> -> memref<96x64xf32, #tpu.memory_space<vmem>>
      %dma_start3A_223 = arith.constant 104 : i32
      %dma_start3A_224 = tpu.memref_slice %arg5[%dma_start3A_217, %dma_start3A_223] : memref<8x200xi32, #tpu.memory_space<vmem>> -> memref<1x96xi32, #tpu.memory_space<vmem>>
      %dma_start3A_225 = tpu.memref_squeeze %dma_start3A_224 : memref<1x96xi32, #tpu.memory_space<vmem>> -> memref<96xi32, #tpu.memory_space<vmem>>
      %dma_start3A_226 = arith.constant 0 : i32
      %dma_start3A_227 = arith.constant 0 : i32
      %dma_start3A_228 = tpu.memref_slice %arg3[%dma_start3A_226, %dma_start3A_227] : memref<1000000x64xf32, #tpu.memory_space<hbm>> -> memref<1000000x64xf32, #tpu.memory_space<hbm>>
      tpu.enqueue_indirect_dma source(%dma_start3A_228 : memref<1000000x64xf32, #tpu.memory_space<hbm>>) target(%dma_start3A_222 : memref<96x64xf32, #tpu.memory_space<vmem>>) offsets(%dma_start3A_225 : memref<96xi32, #tpu.memory_space<vmem>>) semaphore(%arg9 : memref<!tpu.dma_semaphore, #tpu.memory_space<semaphore_mem>>)
      %dma_wait3A_229 = arith.constant 0 : i32
      %dma_wait3A_230 = arith.constant 0 : i32
      %dma_wait3A_231 = arith.constant 0 : i32
      %dma_wait3A_232 = arith.constant 0 : i32
      %dma_wait3A_233 = tpu.memref_slice %arg6[%dma_wait3A_230, %dma_wait3A_231, %dma_wait3A_232] : memref<4x200x64xf32, #tpu.memory_space<vmem>> -> memref<1x104x64xf32, #tpu.memory_space<vmem>>
      %dma_wait3A_234 = tpu.memref_squeeze %dma_wait3A_233 : memref<1x104x64xf32, #tpu.memory_space<vmem>> -> memref<104x64xf32, #tpu.memory_space<vmem>>
      %dma_wait3A_235 = arith.constant 0 : i32
      %dma_wait3A_236 = tpu.memref_slice %arg5[%dma_wait3A_229, %dma_wait3A_235] : memref<8x200xi32, #tpu.memory_space<vmem>> -> memref<1x104xi32, #tpu.memory_space<vmem>>
      %dma_wait3A_237 = tpu.memref_squeeze %dma_wait3A_236 : memref<1x104xi32, #tpu.memory_space<vmem>> -> memref<104xi32, #tpu.memory_space<vmem>>
      %dma_wait3A_238 = arith.constant 0 : i32
      %dma_wait3A_239 = arith.constant 0 : i32
      %dma_wait3A_240 = tpu.memref_slice %arg3[%dma_wait3A_238, %dma_wait3A_239] : memref<1000000x64xf32, #tpu.memory_space<hbm>> -> memref<1000000x64xf32, #tpu.memory_space<hbm>>
      tpu.wait_indirect_dma semaphore(%arg8 : memref<!tpu.dma_semaphore, #tpu.memory_space<semaphore_mem>>) src(%dma_wait3A_240 : memref<1000000x64xf32, #tpu.memory_space<hbm>>) dst(%dma_wait3A_234 : memref<104x64xf32, #tpu.memory_space<vmem>>)
      %dma_wait3A_241 = arith.constant 0 : i32
      %dma_wait3A_242 = arith.constant 0 : i32
      %dma_wait3A_243 = arith.constant 104 : i32
      %dma_wait3A_244 = arith.constant 0 : i32
      %dma_wait3A_245 = tpu.memref_slice %arg6[%dma_wait3A_242, %dma_wait3A_243, %dma_wait3A_244] : memref<4x200x64xf32, #tpu.memory_space<vmem>> -> memref<1x96x64xf32, #tpu.memory_space<vmem>>
      %dma_wait3A_246 = tpu.memref_squeeze %dma_wait3A_245 : memref<1x96x64xf32, #tpu.memory_space<vmem>> -> memref<96x64xf32, #tpu.memory_space<vmem>>
      %dma_wait3A_247 = arith.constant 104 : i32
      %dma_wait3A_248 = tpu.memref_slice %arg5[%dma_wait3A_241, %dma_wait3A_247] : memref<8x200xi32, #tpu.memory_space<vmem>> -> memref<1x96xi32, #tpu.memory_space<vmem>>
      %dma_wait3A_249 = tpu.memref_squeeze %dma_wait3A_248 : memref<1x96xi32, #tpu.memory_space<vmem>> -> memref<96xi32, #tpu.memory_space<vmem>>
      %dma_wait3A_250 = arith.constant 0 : i32
      %dma_wait3A_251 = arith.constant 0 : i32
      %dma_wait3A_252 = tpu.memref_slice %arg3[%dma_wait3A_250, %dma_wait3A_251] : memref<1000000x64xf32, #tpu.memory_space<hbm>> -> memref<1000000x64xf32, #tpu.memory_space<hbm>>
      tpu.wait_indirect_dma semaphore(%arg8 : memref<!tpu.dma_semaphore, #tpu.memory_space<semaphore_mem>>) src(%dma_wait3A_252 : memref<1000000x64xf32, #tpu.memory_space<hbm>>) dst(%dma_wait3A_246 : memref<96x64xf32, #tpu.memory_space<vmem>>)
      %dma_wait3A_253 = arith.constant 1 : i32
      %dma_wait3A_254 = arith.constant 1 : i32
      %dma_wait3A_255 = arith.constant 0 : i32
      %dma_wait3A_256 = arith.constant 0 : i32
      %dma_wait3A_257 = tpu.memref_slice %arg6[%dma_wait3A_254, %dma_wait3A_255, %dma_wait3A_256] : memref<4x200x64xf32, #tpu.memory_space<vmem>> -> memref<1x104x64xf32, #tpu.memory_space<vmem>>
      %dma_wait3A_258 = tpu.memref_squeeze %dma_wait3A_257 : memref<1x104x64xf32, #tpu.memory_space<vmem>> -> memref<104x64xf32, #tpu.memory_space<vmem>>
      %dma_wait3A_259 = arith.constant 0 : i32
      %dma_wait3A_260 = tpu.memref_slice %arg5[%dma_wait3A_253, %dma_wait3A_259] : memref<8x200xi32, #tpu.memory_space<vmem>> -> memref<1x104xi32, #tpu.memory_space<vmem>>
      %dma_wait3A_261 = tpu.memref_squeeze %dma_wait3A_260 : memref<1x104xi32, #tpu.memory_space<vmem>> -> memref<104xi32, #tpu.memory_space<vmem>>
      %dma_wait3A_262 = arith.constant 0 : i32
      %dma_wait3A_263 = arith.constant 0 : i32
      %dma_wait3A_264 = tpu.memref_slice %arg3[%dma_wait3A_262, %dma_wait3A_263] : memref<1000000x64xf32, #tpu.memory_space<hbm>> -> memref<1000000x64xf32, #tpu.memory_space<hbm>>
      tpu.wait_indirect_dma semaphore(%arg8 : memref<!tpu.dma_semaphore, #tpu.memory_space<semaphore_mem>>) src(%dma_wait3A_264 : memref<1000000x64xf32, #tpu.memory_space<hbm>>) dst(%dma_wait3A_258 : memref<104x64xf32, #tpu.memory_space<vmem>>)
      %dma_wait3A_265 = arith.constant 1 : i32
      %dma_wait3A_266 = arith.constant 1 : i32
      %dma_wait3A_267 = arith.constant 104 : i32
      %dma_wait3A_268 = arith.constant 0 : i32
      %dma_wait3A_269 = tpu.memref_slice %arg6[%dma_wait3A_266, %dma_wait3A_267, %dma_wait3A_268] : memref<4x200x64xf32, #tpu.memory_space<vmem>> -> memref<1x96x64xf32, #tpu.memory_space<vmem>>
      %dma_wait3A_270 = tpu.memref_squeeze %dma_wait3A_269 : memref<1x96x64xf32, #tpu.memory_space<vmem>> -> memref<96x64xf32, #tpu.memory_space<vmem>>
      %dma_wait3A_271 = arith.constant 104 : i32
      %dma_wait3A_272 = tpu.memref_slice %arg5[%dma_wait3A_265, %dma_wait3A_271] : memref<8x200xi32, #tpu.memory_space<vmem>> -> memref<1x96xi32, #tpu.memory_space<vmem>>
      %dma_wait3A_273 = tpu.memref_squeeze %dma_wait3A_272 : memref<1x96xi32, #tpu.memory_space<vmem>> -> memref<96xi32, #tpu.memory_space<vmem>>
      %dma_wait3A_274 = arith.constant 0 : i32
      %dma_wait3A_275 = arith.constant 0 : i32
      %dma_wait3A_276 = tpu.memref_slice %arg3[%dma_wait3A_274, %dma_wait3A_275] : memref<1000000x64xf32, #tpu.memory_space<hbm>> -> memref<1000000x64xf32, #tpu.memory_space<hbm>>
      tpu.wait_indirect_dma semaphore(%arg8 : memref<!tpu.dma_semaphore, #tpu.memory_space<semaphore_mem>>) src(%dma_wait3A_276 : memref<1000000x64xf32, #tpu.memory_space<hbm>>) dst(%dma_wait3A_270 : memref<96x64xf32, #tpu.memory_space<vmem>>)
      %dma_wait3A_277 = arith.constant 2 : i32
      %dma_wait3A_278 = arith.constant 2 : i32
      %dma_wait3A_279 = arith.constant 0 : i32
      %dma_wait3A_280 = arith.constant 0 : i32
      %dma_wait3A_281 = tpu.memref_slice %arg6[%dma_wait3A_278, %dma_wait3A_279, %dma_wait3A_280] : memref<4x200x64xf32, #tpu.memory_space<vmem>> -> memref<1x104x64xf32, #tpu.memory_space<vmem>>
      %dma_wait3A_282 = tpu.memref_squeeze %dma_wait3A_281 : memref<1x104x64xf32, #tpu.memory_space<vmem>> -> memref<104x64xf32, #tpu.memory_space<vmem>>
      %dma_wait3A_283 = arith.constant 0 : i32
      %dma_wait3A_284 = tpu.memref_slice %arg5[%dma_wait3A_277, %dma_wait3A_283] : memref<8x200xi32, #tpu.memory_space<vmem>> -> memref<1x104xi32, #tpu.memory_space<vmem>>
      %dma_wait3A_285 = tpu.memref_squeeze %dma_wait3A_284 : memref<1x104xi32, #tpu.memory_space<vmem>> -> memref<104xi32, #tpu.memory_space<vmem>>
      %dma_wait3A_286 = arith.constant 0 : i32
      %dma_wait3A_287 = arith.constant 0 : i32
      %dma_wait3A_288 = tpu.memref_slice %arg3[%dma_wait3A_286, %dma_wait3A_287] : memref<1000000x64xf32, #tpu.memory_space<hbm>> -> memref<1000000x64xf32, #tpu.memory_space<hbm>>
      tpu.wait_indirect_dma semaphore(%arg8 : memref<!tpu.dma_semaphore, #tpu.memory_space<semaphore_mem>>) src(%dma_wait3A_288 : memref<1000000x64xf32, #tpu.memory_space<hbm>>) dst(%dma_wait3A_282 : memref<104x64xf32, #tpu.memory_space<vmem>>)
      %dma_wait3A_289 = arith.constant 2 : i32
      %dma_wait3A_290 = arith.constant 2 : i32
      %dma_wait3A_291 = arith.constant 104 : i32
      %dma_wait3A_292 = arith.constant 0 : i32
      %dma_wait3A_293 = tpu.memref_slice %arg6[%dma_wait3A_290, %dma_wait3A_291, %dma_wait3A_292] : memref<4x200x64xf32, #tpu.memory_space<vmem>> -> memref<1x96x64xf32, #tpu.memory_space<vmem>>
      %dma_wait3A_294 = tpu.memref_squeeze %dma_wait3A_293 : memref<1x96x64xf32, #tpu.memory_space<vmem>> -> memref<96x64xf32, #tpu.memory_space<vmem>>
      %dma_wait3A_295 = arith.constant 104 : i32
      %dma_wait3A_296 = tpu.memref_slice %arg5[%dma_wait3A_289, %dma_wait3A_295] : memref<8x200xi32, #tpu.memory_space<vmem>> -> memref<1x96xi32, #tpu.memory_space<vmem>>
      %dma_wait3A_297 = tpu.memref_squeeze %dma_wait3A_296 : memref<1x96xi32, #tpu.memory_space<vmem>> -> memref<96xi32, #tpu.memory_space<vmem>>
      %dma_wait3A_298 = arith.constant 0 : i32
      %dma_wait3A_299 = arith.constant 0 : i32
      %dma_wait3A_300 = tpu.memref_slice %arg3[%dma_wait3A_298, %dma_wait3A_299] : memref<1000000x64xf32, #tpu.memory_space<hbm>> -> memref<1000000x64xf32, #tpu.memory_space<hbm>>
      tpu.wait_indirect_dma semaphore(%arg8 : memref<!tpu.dma_semaphore, #tpu.memory_space<semaphore_mem>>) src(%dma_wait3A_300 : memref<1000000x64xf32, #tpu.memory_space<hbm>>) dst(%dma_wait3A_294 : memref<96x64xf32, #tpu.memory_space<vmem>>)
      %dma_wait3A_301 = arith.constant 3 : i32
      %dma_wait3A_302 = arith.constant 3 : i32
      %dma_wait3A_303 = arith.constant 0 : i32
      %dma_wait3A_304 = arith.constant 0 : i32
      %dma_wait3A_305 = tpu.memref_slice %arg6[%dma_wait3A_302, %dma_wait3A_303, %dma_wait3A_304] : memref<4x200x64xf32, #tpu.memory_space<vmem>> -> memref<1x104x64xf32, #tpu.memory_space<vmem>>
      %dma_wait3A_306 = tpu.memref_squeeze %dma_wait3A_305 : memref<1x104x64xf32, #tpu.memory_space<vmem>> -> memref<104x64xf32, #tpu.memory_space<vmem>>
      %dma_wait3A_307 = arith.constant 0 : i32
      %dma_wait3A_308 = tpu.memref_slice %arg5[%dma_wait3A_301, %dma_wait3A_307] : memref<8x200xi32, #tpu.memory_space<vmem>> -> memref<1x104xi32, #tpu.memory_space<vmem>>
      %dma_wait3A_309 = tpu.memref_squeeze %dma_wait3A_308 : memref<1x104xi32, #tpu.memory_space<vmem>> -> memref<104xi32, #tpu.memory_space<vmem>>
      %dma_wait3A_310 = arith.constant 0 : i32
      %dma_wait3A_311 = arith.constant 0 : i32
      %dma_wait3A_312 = tpu.memref_slice %arg3[%dma_wait3A_310, %dma_wait3A_311] : memref<1000000x64xf32, #tpu.memory_space<hbm>> -> memref<1000000x64xf32, #tpu.memory_space<hbm>>
      tpu.wait_indirect_dma semaphore(%arg8 : memref<!tpu.dma_semaphore, #tpu.memory_space<semaphore_mem>>) src(%dma_wait3A_312 : memref<1000000x64xf32, #tpu.memory_space<hbm>>) dst(%dma_wait3A_306 : memref<104x64xf32, #tpu.memory_space<vmem>>)
      %dma_wait3A_313 = arith.constant 3 : i32
      %dma_wait3A_314 = arith.constant 3 : i32
      %dma_wait3A_315 = arith.constant 104 : i32
      %dma_wait3A_316 = arith.constant 0 : i32
      %dma_wait3A_317 = tpu.memref_slice %arg6[%dma_wait3A_314, %dma_wait3A_315, %dma_wait3A_316] : memref<4x200x64xf32, #tpu.memory_space<vmem>> -> memref<1x96x64xf32, #tpu.memory_space<vmem>>
      %dma_wait3A_318 = tpu.memref_squeeze %dma_wait3A_317 : memref<1x96x64xf32, #tpu.memory_space<vmem>> -> memref<96x64xf32, #tpu.memory_space<vmem>>
      %dma_wait3A_319 = arith.constant 104 : i32
      %dma_wait3A_320 = tpu.memref_slice %arg5[%dma_wait3A_313, %dma_wait3A_319] : memref<8x200xi32, #tpu.memory_space<vmem>> -> memref<1x96xi32, #tpu.memory_space<vmem>>
      %dma_wait3A_321 = tpu.memref_squeeze %dma_wait3A_320 : memref<1x96xi32, #tpu.memory_space<vmem>> -> memref<96xi32, #tpu.memory_space<vmem>>
      %dma_wait3A_322 = arith.constant 0 : i32
      %dma_wait3A_323 = arith.constant 0 : i32
      %dma_wait3A_324 = tpu.memref_slice %arg3[%dma_wait3A_322, %dma_wait3A_323] : memref<1000000x64xf32, #tpu.memory_space<hbm>> -> memref<1000000x64xf32, #tpu.memory_space<hbm>>
      tpu.wait_indirect_dma semaphore(%arg8 : memref<!tpu.dma_semaphore, #tpu.memory_space<semaphore_mem>>) src(%dma_wait3A_324 : memref<1000000x64xf32, #tpu.memory_space<hbm>>) dst(%dma_wait3A_318 : memref<96x64xf32, #tpu.memory_space<vmem>>)
      %dma_start3A_325 = arith.constant 0 : i32
      %dma_start3A_326 = arith.constant 0 : i32
      %dma_start3A_327 = tpu.memref_slice %arg4[%add3A_28, %dma_start3A_325, %dma_start3A_326] : memref<16384x200x128xf32, #tpu.memory_space<hbm>> -> memref<4x200x64xf32, #tpu.memory_space<hbm>>
      %dma_start3A_328 = arith.constant 0 : i32
      %dma_start3A_329 = arith.constant 0 : i32
      %dma_start3A_330 = tpu.memref_slice %arg4[%add3A_28, %dma_start3A_328, %dma_start3A_329] : memref<16384x200x128xf32, #tpu.memory_space<hbm>> -> memref<4x200x64xf32, #tpu.memory_space<hbm>>
      tpu.enqueue_dma source(%arg6 : memref<4x200x64xf32, #tpu.memory_space<vmem>>) target(%dma_start3A_330 : memref<4x200x64xf32, #tpu.memory_space<hbm>>) target_semaphore(%arg10 : memref<!tpu.dma_semaphore, #tpu.memory_space<semaphore_mem>>)
      %dma_wait3A_331 = arith.constant 4 : i32
      %dma_wait3A_332 = arith.constant 0 : i32
      %dma_wait3A_333 = arith.constant 0 : i32
      %dma_wait3A_334 = arith.constant 0 : i32
      %dma_wait3A_335 = tpu.memref_slice %arg7[%dma_wait3A_332, %dma_wait3A_333, %dma_wait3A_334] : memref<4x200x64xf32, #tpu.memory_space<vmem>> -> memref<1x104x64xf32, #tpu.memory_space<vmem>>
      %dma_wait3A_336 = tpu.memref_squeeze %dma_wait3A_335 : memref<1x104x64xf32, #tpu.memory_space<vmem>> -> memref<104x64xf32, #tpu.memory_space<vmem>>
      %dma_wait3A_337 = arith.constant 0 : i32
      %dma_wait3A_338 = tpu.memref_slice %arg5[%dma_wait3A_331, %dma_wait3A_337] : memref<8x200xi32, #tpu.memory_space<vmem>> -> memref<1x104xi32, #tpu.memory_space<vmem>>
      %dma_wait3A_339 = tpu.memref_squeeze %dma_wait3A_338 : memref<1x104xi32, #tpu.memory_space<vmem>> -> memref<104xi32, #tpu.memory_space<vmem>>
      %dma_wait3A_340 = arith.constant 0 : i32
      %dma_wait3A_341 = arith.constant 0 : i32
      %dma_wait3A_342 = tpu.memref_slice %arg3[%dma_wait3A_340, %dma_wait3A_341] : memref<1000000x64xf32, #tpu.memory_space<hbm>> -> memref<1000000x64xf32, #tpu.memory_space<hbm>>
      tpu.wait_indirect_dma semaphore(%arg9 : memref<!tpu.dma_semaphore, #tpu.memory_space<semaphore_mem>>) src(%dma_wait3A_342 : memref<1000000x64xf32, #tpu.memory_space<hbm>>) dst(%dma_wait3A_336 : memref<104x64xf32, #tpu.memory_space<vmem>>)
      %dma_wait3A_343 = arith.constant 4 : i32
      %dma_wait3A_344 = arith.constant 0 : i32
      %dma_wait3A_345 = arith.constant 104 : i32
      %dma_wait3A_346 = arith.constant 0 : i32
      %dma_wait3A_347 = tpu.memref_slice %arg7[%dma_wait3A_344, %dma_wait3A_345, %dma_wait3A_346] : memref<4x200x64xf32, #tpu.memory_space<vmem>> -> memref<1x96x64xf32, #tpu.memory_space<vmem>>
      %dma_wait3A_348 = tpu.memref_squeeze %dma_wait3A_347 : memref<1x96x64xf32, #tpu.memory_space<vmem>> -> memref<96x64xf32, #tpu.memory_space<vmem>>
      %dma_wait3A_349 = arith.constant 104 : i32
      %dma_wait3A_350 = tpu.memref_slice %arg5[%dma_wait3A_343, %dma_wait3A_349] : memref<8x200xi32, #tpu.memory_space<vmem>> -> memref<1x96xi32, #tpu.memory_space<vmem>>
      %dma_wait3A_351 = tpu.memref_squeeze %dma_wait3A_350 : memref<1x96xi32, #tpu.memory_space<vmem>> -> memref<96xi32, #tpu.memory_space<vmem>>
      %dma_wait3A_352 = arith.constant 0 : i32
      %dma_wait3A_353 = arith.constant 0 : i32
      %dma_wait3A_354 = tpu.memref_slice %arg3[%dma_wait3A_352, %dma_wait3A_353] : memref<1000000x64xf32, #tpu.memory_space<hbm>> -> memref<1000000x64xf32, #tpu.memory_space<hbm>>
      tpu.wait_indirect_dma semaphore(%arg9 : memref<!tpu.dma_semaphore, #tpu.memory_space<semaphore_mem>>) src(%dma_wait3A_354 : memref<1000000x64xf32, #tpu.memory_space<hbm>>) dst(%dma_wait3A_348 : memref<96x64xf32, #tpu.memory_space<vmem>>)
      %dma_wait3A_355 = arith.constant 5 : i32
      %dma_wait3A_356 = arith.constant 1 : i32
      %dma_wait3A_357 = arith.constant 0 : i32
      %dma_wait3A_358 = arith.constant 0 : i32
      %dma_wait3A_359 = tpu.memref_slice %arg7[%dma_wait3A_356, %dma_wait3A_357, %dma_wait3A_358] : memref<4x200x64xf32, #tpu.memory_space<vmem>> -> memref<1x104x64xf32, #tpu.memory_space<vmem>>
      %dma_wait3A_360 = tpu.memref_squeeze %dma_wait3A_359 : memref<1x104x64xf32, #tpu.memory_space<vmem>> -> memref<104x64xf32, #tpu.memory_space<vmem>>
      %dma_wait3A_361 = arith.constant 0 : i32
      %dma_wait3A_362 = tpu.memref_slice %arg5[%dma_wait3A_355, %dma_wait3A_361] : memref<8x200xi32, #tpu.memory_space<vmem>> -> memref<1x104xi32, #tpu.memory_space<vmem>>
      %dma_wait3A_363 = tpu.memref_squeeze %dma_wait3A_362 : memref<1x104xi32, #tpu.memory_space<vmem>> -> memref<104xi32, #tpu.memory_space<vmem>>
      %dma_wait3A_364 = arith.constant 0 : i32
      %dma_wait3A_365 = arith.constant 0 : i32
      %dma_wait3A_366 = tpu.memref_slice %arg3[%dma_wait3A_364, %dma_wait3A_365] : memref<1000000x64xf32, #tpu.memory_space<hbm>> -> memref<1000000x64xf32, #tpu.memory_space<hbm>>
      tpu.wait_indirect_dma semaphore(%arg9 : memref<!tpu.dma_semaphore, #tpu.memory_space<semaphore_mem>>) src(%dma_wait3A_366 : memref<1000000x64xf32, #tpu.memory_space<hbm>>) dst(%dma_wait3A_360 : memref<104x64xf32, #tpu.memory_space<vmem>>)
      %dma_wait3A_367 = arith.constant 5 : i32
      %dma_wait3A_368 = arith.constant 1 : i32
      %dma_wait3A_369 = arith.constant 104 : i32
      %dma_wait3A_370 = arith.constant 0 : i32
      %dma_wait3A_371 = tpu.memref_slice %arg7[%dma_wait3A_368, %dma_wait3A_369, %dma_wait3A_370] : memref<4x200x64xf32, #tpu.memory_space<vmem>> -> memref<1x96x64xf32, #tpu.memory_space<vmem>>
      %dma_wait3A_372 = tpu.memref_squeeze %dma_wait3A_371 : memref<1x96x64xf32, #tpu.memory_space<vmem>> -> memref<96x64xf32, #tpu.memory_space<vmem>>
      %dma_wait3A_373 = arith.constant 104 : i32
      %dma_wait3A_374 = tpu.memref_slice %arg5[%dma_wait3A_367, %dma_wait3A_373] : memref<8x200xi32, #tpu.memory_space<vmem>> -> memref<1x96xi32, #tpu.memory_space<vmem>>
      %dma_wait3A_375 = tpu.memref_squeeze %dma_wait3A_374 : memref<1x96xi32, #tpu.memory_space<vmem>> -> memref<96xi32, #tpu.memory_space<vmem>>
      %dma_wait3A_376 = arith.constant 0 : i32
      %dma_wait3A_377 = arith.constant 0 : i32
      %dma_wait3A_378 = tpu.memref_slice %arg3[%dma_wait3A_376, %dma_wait3A_377] : memref<1000000x64xf32, #tpu.memory_space<hbm>> -> memref<1000000x64xf32, #tpu.memory_space<hbm>>
      tpu.wait_indirect_dma semaphore(%arg9 : memref<!tpu.dma_semaphore, #tpu.memory_space<semaphore_mem>>) src(%dma_wait3A_378 : memref<1000000x64xf32, #tpu.memory_space<hbm>>) dst(%dma_wait3A_372 : memref<96x64xf32, #tpu.memory_space<vmem>>)
      %dma_wait3A_379 = arith.constant 6 : i32
      %dma_wait3A_380 = arith.constant 2 : i32
      %dma_wait3A_381 = arith.constant 0 : i32
      %dma_wait3A_382 = arith.constant 0 : i32
      %dma_wait3A_383 = tpu.memref_slice %arg7[%dma_wait3A_380, %dma_wait3A_381, %dma_wait3A_382] : memref<4x200x64xf32, #tpu.memory_space<vmem>> -> memref<1x104x64xf32, #tpu.memory_space<vmem>>
      %dma_wait3A_384 = tpu.memref_squeeze %dma_wait3A_383 : memref<1x104x64xf32, #tpu.memory_space<vmem>> -> memref<104x64xf32, #tpu.memory_space<vmem>>
      %dma_wait3A_385 = arith.constant 0 : i32
      %dma_wait3A_386 = tpu.memref_slice %arg5[%dma_wait3A_379, %dma_wait3A_385] : memref<8x200xi32, #tpu.memory_space<vmem>> -> memref<1x104xi32, #tpu.memory_space<vmem>>
      %dma_wait3A_387 = tpu.memref_squeeze %dma_wait3A_386 : memref<1x104xi32, #tpu.memory_space<vmem>> -> memref<104xi32, #tpu.memory_space<vmem>>
      %dma_wait3A_388 = arith.constant 0 : i32
      %dma_wait3A_389 = arith.constant 0 : i32
      %dma_wait3A_390 = tpu.memref_slice %arg3[%dma_wait3A_388, %dma_wait3A_389] : memref<1000000x64xf32, #tpu.memory_space<hbm>> -> memref<1000000x64xf32, #tpu.memory_space<hbm>>
      tpu.wait_indirect_dma semaphore(%arg9 : memref<!tpu.dma_semaphore, #tpu.memory_space<semaphore_mem>>) src(%dma_wait3A_390 : memref<1000000x64xf32, #tpu.memory_space<hbm>>) dst(%dma_wait3A_384 : memref<104x64xf32, #tpu.memory_space<vmem>>)
      %dma_wait3A_391 = arith.constant 6 : i32
      %dma_wait3A_392 = arith.constant 2 : i32
      %dma_wait3A_393 = arith.constant 104 : i32
      %dma_wait3A_394 = arith.constant 0 : i32
      %dma_wait3A_395 = tpu.memref_slice %arg7[%dma_wait3A_392, %dma_wait3A_393, %dma_wait3A_394] : memref<4x200x64xf32, #tpu.memory_space<vmem>> -> memref<1x96x64xf32, #tpu.memory_space<vmem>>
      %dma_wait3A_396 = tpu.memref_squeeze %dma_wait3A_395 : memref<1x96x64xf32, #tpu.memory_space<vmem>> -> memref<96x64xf32, #tpu.memory_space<vmem>>
      %dma_wait3A_397 = arith.constant 104 : i32
      %dma_wait3A_398 = tpu.memref_slice %arg5[%dma_wait3A_391, %dma_wait3A_397] : memref<8x200xi32, #tpu.memory_space<vmem>> -> memref<1x96xi32, #tpu.memory_space<vmem>>
      %dma_wait3A_399 = tpu.memref_squeeze %dma_wait3A_398 : memref<1x96xi32, #tpu.memory_space<vmem>> -> memref<96xi32, #tpu.memory_space<vmem>>
      %dma_wait3A_400 = arith.constant 0 : i32
      %dma_wait3A_401 = arith.constant 0 : i32
      %dma_wait3A_402 = tpu.memref_slice %arg3[%dma_wait3A_400, %dma_wait3A_401] : memref<1000000x64xf32, #tpu.memory_space<hbm>> -> memref<1000000x64xf32, #tpu.memory_space<hbm>>
      tpu.wait_indirect_dma semaphore(%arg9 : memref<!tpu.dma_semaphore, #tpu.memory_space<semaphore_mem>>) src(%dma_wait3A_402 : memref<1000000x64xf32, #tpu.memory_space<hbm>>) dst(%dma_wait3A_396 : memref<96x64xf32, #tpu.memory_space<vmem>>)
      %dma_wait3A_403 = arith.constant 7 : i32
      %dma_wait3A_404 = arith.constant 3 : i32
      %dma_wait3A_405 = arith.constant 0 : i32
      %dma_wait3A_406 = arith.constant 0 : i32
      %dma_wait3A_407 = tpu.memref_slice %arg7[%dma_wait3A_404, %dma_wait3A_405, %dma_wait3A_406] : memref<4x200x64xf32, #tpu.memory_space<vmem>> -> memref<1x104x64xf32, #tpu.memory_space<vmem>>
      %dma_wait3A_408 = tpu.memref_squeeze %dma_wait3A_407 : memref<1x104x64xf32, #tpu.memory_space<vmem>> -> memref<104x64xf32, #tpu.memory_space<vmem>>
      %dma_wait3A_409 = arith.constant 0 : i32
      %dma_wait3A_410 = tpu.memref_slice %arg5[%dma_wait3A_403, %dma_wait3A_409] : memref<8x200xi32, #tpu.memory_space<vmem>> -> memref<1x104xi32, #tpu.memory_space<vmem>>
      %dma_wait3A_411 = tpu.memref_squeeze %dma_wait3A_410 : memref<1x104xi32, #tpu.memory_space<vmem>> -> memref<104xi32, #tpu.memory_space<vmem>>
      %dma_wait3A_412 = arith.constant 0 : i32
      %dma_wait3A_413 = arith.constant 0 : i32
      %dma_wait3A_414 = tpu.memref_slice %arg3[%dma_wait3A_412, %dma_wait3A_413] : memref<1000000x64xf32, #tpu.memory_space<hbm>> -> memref<1000000x64xf32, #tpu.memory_space<hbm>>
      tpu.wait_indirect_dma semaphore(%arg9 : memref<!tpu.dma_semaphore, #tpu.memory_space<semaphore_mem>>) src(%dma_wait3A_414 : memref<1000000x64xf32, #tpu.memory_space<hbm>>) dst(%dma_wait3A_408 : memref<104x64xf32, #tpu.memory_space<vmem>>)
      %dma_wait3A_415 = arith.constant 7 : i32
      %dma_wait3A_416 = arith.constant 3 : i32
      %dma_wait3A_417 = arith.constant 104 : i32
      %dma_wait3A_418 = arith.constant 0 : i32
      %dma_wait3A_419 = tpu.memref_slice %arg7[%dma_wait3A_416, %dma_wait3A_417, %dma_wait3A_418] : memref<4x200x64xf32, #tpu.memory_space<vmem>> -> memref<1x96x64xf32, #tpu.memory_space<vmem>>
      %dma_wait3A_420 = tpu.memref_squeeze %dma_wait3A_419 : memref<1x96x64xf32, #tpu.memory_space<vmem>> -> memref<96x64xf32, #tpu.memory_space<vmem>>
      %dma_wait3A_421 = arith.constant 104 : i32
      %dma_wait3A_422 = tpu.memref_slice %arg5[%dma_wait3A_415, %dma_wait3A_421] : memref<8x200xi32, #tpu.memory_space<vmem>> -> memref<1x96xi32, #tpu.memory_space<vmem>>
      %dma_wait3A_423 = tpu.memref_squeeze %dma_wait3A_422 : memref<1x96xi32, #tpu.memory_space<vmem>> -> memref<96xi32, #tpu.memory_space<vmem>>
      %dma_wait3A_424 = arith.constant 0 : i32
      %dma_wait3A_425 = arith.constant 0 : i32
      %dma_wait3A_426 = tpu.memref_slice %arg3[%dma_wait3A_424, %dma_wait3A_425] : memref<1000000x64xf32, #tpu.memory_space<hbm>> -> memref<1000000x64xf32, #tpu.memory_space<hbm>>
      tpu.wait_indirect_dma semaphore(%arg9 : memref<!tpu.dma_semaphore, #tpu.memory_space<semaphore_mem>>) src(%dma_wait3A_426 : memref<1000000x64xf32, #tpu.memory_space<hbm>>) dst(%dma_wait3A_420 : memref<96x64xf32, #tpu.memory_space<vmem>>)
      %dma_start3A_427 = arith.constant 0 : i32
      %dma_start3A_428 = arith.constant 0 : i32
      %dma_start3A_429 = tpu.memref_slice %arg4[%add3A_30, %dma_start3A_427, %dma_start3A_428] : memref<16384x200x128xf32, #tpu.memory_space<hbm>> -> memref<4x200x64xf32, #tpu.memory_space<hbm>>
      %dma_start3A_430 = arith.constant 0 : i32
      %dma_start3A_431 = arith.constant 0 : i32
      %dma_start3A_432 = tpu.memref_slice %arg4[%add3A_30, %dma_start3A_430, %dma_start3A_431] : memref<16384x200x128xf32, #tpu.memory_space<hbm>> -> memref<4x200x64xf32, #tpu.memory_space<hbm>>
      tpu.enqueue_dma source(%arg7 : memref<4x200x64xf32, #tpu.memory_space<vmem>>) target(%dma_start3A_432 : memref<4x200x64xf32, #tpu.memory_space<hbm>>) target_semaphore(%arg11 : memref<!tpu.dma_semaphore, #tpu.memory_space<semaphore_mem>>)
    }
    %scan3A_7 = arith.constant 64 : i32
    %add3A_8 = arith.constant 504 : i32
    %add3A_9 = arith.addi %mul3A_2, %add3A_8 : i32
    %dma_wait3A = arith.constant 0 : i32
    %dma_wait3A_10 = arith.constant 0 : i32
    %dma_wait3A_11 = tpu.memref_slice %arg4[%add3A_9, %dma_wait3A, %dma_wait3A_10] : memref<16384x200x128xf32, #tpu.memory_space<hbm>> -> memref<4x200x64xf32, #tpu.memory_space<hbm>>
    %dma_wait3A_12 = arith.constant 0 : i32
    %dma_wait3A_13 = arith.constant 0 : i32
    %dma_wait3A_14 = tpu.memref_slice %arg4[%add3A_9, %dma_wait3A_12, %dma_wait3A_13] : memref<16384x200x128xf32, #tpu.memory_space<hbm>> -> memref<4x200x64xf32, #tpu.memory_space<hbm>>
    tpu.wait_dma2 semaphore(%arg10 : memref<!tpu.dma_semaphore, #tpu.memory_space<semaphore_mem>>) src(%arg6 : memref<4x200x64xf32, #tpu.memory_space<vmem>>) dst(%dma_wait3A_14 : memref<4x200x64xf32, #tpu.memory_space<hbm>>)
    %add3A_15 = arith.constant 4 : i32
    %add3A_16 = arith.addi %add3A_9, %add3A_15 : i32
    %dma_wait3A_17 = arith.constant 0 : i32
    %dma_wait3A_18 = arith.constant 0 : i32
    %dma_wait3A_19 = tpu.memref_slice %arg4[%add3A_16, %dma_wait3A_17, %dma_wait3A_18] : memref<16384x200x128xf32, #tpu.memory_space<hbm>> -> memref<4x200x64xf32, #tpu.memory_space<hbm>>
    %dma_wait3A_20 = arith.constant 0 : i32
    %dma_wait3A_21 = arith.constant 0 : i32
    %dma_wait3A_22 = tpu.memref_slice %arg4[%add3A_16, %dma_wait3A_20, %dma_wait3A_21] : memref<16384x200x128xf32, #tpu.memory_space<hbm>> -> memref<4x200x64xf32, #tpu.memory_space<hbm>>
    tpu.wait_dma2 semaphore(%arg11 : memref<!tpu.dma_semaphore, #tpu.memory_space<semaphore_mem>>) src(%arg7 : memref<4x200x64xf32, #tpu.memory_space<vmem>>) dst(%dma_wait3A_22 : memref<4x200x64xf32, #tpu.memory_space<hbm>>)
    return
  }
}

</mosaic_0001>

<sc_bundles>
// kernel: kernel.3.cloned.1.call-start
scs
__scs_entry_jumppad:
0x0: {  	(pc) =	sbr.rel $0x88, $3  }
0x1: {  	(tag) =	ssettag $0x0;
	lr =	simm.s32 $0x1  }
0x2: {  	[smem:$0x3F9F] =	sst lr;
	_ =	strace $0xD0000000  }
0x3: {  	_ = 	snop  }
0x4: {  	_ = 	snop  }
0x5: {  	_ = 	snop  }
0x6: {  	_ = 	snop  }
0x7: {  	_ = 	snop  }
__scs_overlays_trampoline_lowered:
0x8: {  	[smem:$0x3FAE] =	sst s0  }
0x9: {  	[smem:$0x3FAF] =	sst s1  }
0xa: {  	[smem:$0x3FB0] =	sst s2  }
0xb: {  	[smem:$0x3FB1] =	sst s3  }
0xc: {  	[smem:$0x3FB2] =	sst s4  }
0xd: {  	[smem:$0x3FB3] =	sst s5  }
0xe: {  	[smem:$0x3FB4] =	sst s6  }
0xf: {  	[smem:$0x3FB5] =	sst s7  }
0x10: {  	[smem:$0x3FB6] =	sst s8  }
0x11: {  	[smem:$0x3FB7] =	sst s9;
	s0 =	simm.s32 @!p0 $0x0  }
0x12: {  	s1 =	sld [smem:$0x3F9D];
	s0 =	simm.s32 @p0 $0x1  }
0x13: {  	[smem:$0x3FB8] =	sst s0;
	s0 =	simm.s32 @!p1 $0x0  }
0x14: {  	s2 =	sld [smem:$0x3F9C];
	s0 =	simm.s32 @p1 $0x1  }
0x15: {  	[smem:$0x3FB9] =	sst s0;
	s0 =	simm.s32 @!p2 $0x0  }
0x16: {  	s3 =	sld [smem:$0x3FDB];
	s0 =	simm.s32 @p2 $0x1  }
0x17: {  	s4 =	simm.s32 $0x1BF5;
	[smem:$0x3FBB] =	sst s0  }
0x18: {  	s0 =	sld [smem:$0x3F9E];
	_ =	swait.ge [sflag:s4], $0x0  }
0x19: {  	s7 =	sld [smem:$0x3F9F]  }
0x1a: {  	s8 =	sadd.s32 $0xFFFFE003, lr  }
0x1b: {  	s9 =	sadd.s32 $0xFFFFFEF7, lr;
	s5 =	simm.s32 $0xFFFFFFFF;
	p2 =	slt.u32 s8, $0xFFFFF086  }
0x1c: {  	p1 =	slt.u32 s9, $0xF7A;
	s5 =	simm.s32 @!p2 $0x0  }
0x1d: {  	s5 =	simm.s32 @p1 $0x1;
	p0 =	seq.s32 s7, s2  }
0x1e: {  	s7 =	smul.u32 @!p0 $0xF7A, s2;
	p2 =	seq.s32 @!p0 s5, $0x0  }
0x1f: {  	s9 =	smul.u32 $0xF7A, s1;
	s8 =	simm.s32 @!p0 $0x1BF5;
	p2 =	por !p2, p0  }
0x20: {  	[sflag:s8] =	ssyncset.s32 @!p0 $0xFFFFF086;
	s6 =	sadd.s32 @!p0 s3, s7;
	s7 =	simm.s32 @!p0 $0x108  }
0x21: {  	s3 =	sadd.s32 s3, s9;
	s6 =	sadd.s32 @!p0 $0x88, s6;
	s7 =	simm.s32 @p2 $0x1082  }
0x22: {  	[simem:s7], [sflag:s8] =	dma.local @!p0 [hbm:s6], $0xF7A  }
0x23: {  	s9 =	sor.u32 $0xD0000000, s2;
	s6 =	simm.s32 $0x108;
	_ =	swait.ge @!p0 [sflag:s8], $0x0  }
0x24: {  	s3 =	sadd.s32 $0x88, s3;
	s6 =	simm.s32 @!p1 $0x1082;
	[sflag:s4] =	ssyncset.s32 $0xFFFFF086  }
0x25: {  	[simem:s6], [sflag:s4] =	dma.local [hbm:s3], $0xF7A  }
0x26: {  	[smem:$0x3F9F] =	sst s1;
	(tag) =	ssettag s2;
	_ =	strace s9  }
0x27: {  	s1 =	sld [smem:$0x3FAF]  }
0x28: {  	s2 =	sld [smem:$0x3FB0]  }
0x29: {  	s4 =	sld [smem:$0x3FB2]  }
0x2a: {  	p0 =	seq.s32 s5, $0x0;
	s5 =	sld [smem:$0x3FB3]  }
0x2b: {  	s6 =	sld [smem:$0x3FB4]  }
0x2c: {  	s7 =	sld [smem:$0x3FB5]  }
0x2d: {  	s3 =	simm.s32 $0x108;
	s8 =	sld [smem:$0x3FB6]  }
0x2e: {  	s3 =	simm.s32 @!p0 $0x1082;
	s9 =	sld [smem:$0x3FB7]  }
0x2f: {  	lr =	sadd.s32 s0, s3;
	s0 =	sld [smem:$0x3FAE]  }
0x30: {  	s3 =	sld [smem:$0x3FB1]  }
0x31: {  	[smem:$0x3FBA] =	sst s10  }
0x32: {  	s10 =	sld [smem:$0x3FB8];
	_ =	sdelay $0x3  }
0x33: {  	p0 =	seq.s32 s10, $0x1;
	s10 =	sld [smem:$0x3FBA];
	_ =	sdelay $0x3  }
0x34: {  	[smem:$0x3FBA] =	sst s10  }
0x35: {  	s10 =	sld [smem:$0x3FB9];
	_ =	sdelay $0x3  }
0x36: {  	p1 =	seq.s32 s10, $0x1;
	s10 =	sld [smem:$0x3FBA];
	_ =	sdelay $0x3  }
0x37: {  	[smem:$0x3FBA] =	sst s10  }
0x38: {  	s10 =	sld [smem:$0x3FBB]  }
0x39: {  	_ = 	snop;
	(pc) =	sbr.ind lr, $3  }
0x3a: {  	_ = 	snop  }
0x3b: {  	_ = 	snop  }
0x3c: {  	p2 =	seq.s32 s10, $0x1;
	s10 =	sld [smem:$0x3FBA]  }
0x3d: {  	_ =	shalt  }
0x3e: {  	_ =	shalt  }
0x3f: {  	_ =	shalt  }
0x40: {  	_ =	shalt  }
0x41: {  	_ =	shalt  }
0x42: {  	_ =	shalt  }
0x43: {  	_ =	shalt  }
0x44: {  	_ =	shalt  }
0x45: {  	_ =	shalt  }
0x46: {  	_ =	shalt  }
0x47: {  	_ =	shalt  }
0x48: {  	_ =	shalt  }
0x49: {  	_ =	shalt  }
0x4a: {  	_ =	shalt  }
0x4b: {  	_ =	shalt  }
0x4c: {  	_ =	shalt  }
0x4d: {  	_ =	shalt  }
0x4e: {  	_ =	shalt  }
0x4f: {  	_ =	shalt  }
0x50: {  	_ =	shalt  }
0x51: {  	_ =	shalt  }
0x52: {  	_ =	shalt  }
0x53: {  	_ =	shalt  }
0x54: {  	_ =	shalt  }
0x55: {  	_ =	shalt  }
0x56: {  	_ =	shalt  }
0x57: {  	_ =	shalt  }
0x58: {  	_ =	shalt  }
0x59: {  	_ =	shalt  }
0x5a: {  	_ =	shalt  }
0x5b: {  	_ =	shalt  }
0x5c: {  	_ =	shalt  }
0x5d: {  	_ =	shalt  }
0x5e: {  	_ =	shalt  }
0x5f: {  	_ =	shalt  }
0x60: {  	_ =	shalt  }
0x61: {  	_ =	shalt  }
0x62: {  	_ =	shalt  }
0x63: {  	_ =	shalt  }
0x64: {  	_ =	shalt  }
0x65: {  	_ =	shalt  }
0x66: {  	_ =	shalt  }
0x67: {  	_ =	shalt  }
0x68: {  	_ =	shalt  }
0x69: {  	_ =	shalt  }
0x6a: {  	_ =	shalt  }
0x6b: {  	_ =	shalt  }
0x6c: {  	_ =	shalt  }
0x6d: {  	_ =	shalt  }
0x6e: {  	_ =	shalt  }
0x6f: {  	_ =	shalt  }
0x70: {  	_ =	shalt  }
0x71: {  	_ =	shalt  }
0x72: {  	_ =	shalt  }
0x73: {  	_ =	shalt  }
0x74: {  	_ =	shalt  }
0x75: {  	_ =	shalt  }
0x76: {  	_ =	shalt  }
0x77: {  	_ =	shalt  }
0x78: {  	_ =	shalt  }
0x79: {  	_ =	shalt  }
0x7a: {  	_ =	shalt  }
0x7b: {  	_ =	shalt  }
0x7c: {  	_ =	shalt  }
0x7d: {  	_ =	shalt  }
0x7e: {  	_ =	shalt  }
0x7f: {  	_ =	shalt  }
0x80: {  	_ =	shalt  }
0x81: {  	_ =	shalt  }
0x82: {  	_ =	shalt  }
0x83: {  	_ =	shalt  }
0x84: {  	_ =	shalt  }
0x85: {  	_ =	shalt  }
0x86: {  	_ =	shalt  }
0x87: {  	_ =	shalt  }
.Lfunc_end0:
.L_simem_size_0:
called_computation.1_lowered:
.L_overlay_start_0:
0x88: {  	s2 =	sld [smem:$0x3FD9]  }
0x89: {  	s3 =	sld [smem:$0x3FFE];
	_ =	sdelay $0x1  }
0x8a: {  	s1 =	srdreg.scid  }
0x8b: {  	s0 =	sand.u32 $0x1, s1  }
0x8c: {  	s16 =	sshll.u32 s0, $0xA;
	s2 =	sadd.s32 s3, s2  }
0x8d: {  	s2 =	sadd.s32 s2, s16  }
0x8e: {  	[smem:$0x3FC6] =	sst s2  }
0x8f: {  	_ = 	snop  }
0x90: {  	(tm) =	ssettm $0x1  }
0x91: {  	s17 =	sld [smem:$0x3FFB];
	_ =	sdelay $0x3  }
0x92: {  	_ =	strace s17  }
0x93: {  	s2 =	sld [smem:$0x3FFC];
	_ =	sdelay $0x3  }
0x94: {  	_ =	strace s2  }
0x95: {  	s2 =	sld [smem:$0x3FFD];
	_ =	sdelay $0x3  }
0x96: {  	_ =	strace s2  }
0x97: {  	_ =	strace $0x8FFFFFFF  }
0x98: {  	s18 =	sld [smem:$0x3FDB];
	_ =	sdelay $0x1  }
0x99: {  	s19 =	simm.s32 $_scs_section_size  }
0x9a: {  	s4 =	simm.s32 $_size__tile_overlayer_lowered;
	s5 =	simm.s32 $_tile_overlayer_lowered  }
0x9b: {  	s22 =	simm.s32 $0x1BFF;
	s21 =	sshll.u32 s5, $0x1;
	s2 =	sadd.s32 s19, s18  }
0x9c: {  	s6 =	simm.s32 $0x0;
	s20 =	sshll.u32 s4, $0x1;
	s4 =	sadd.s32 s21, s2  }
0x9d: {  	[timem:s6], [sflag:s22] =	dma.local [hbm:s4], s20  }
0x9e: {  	_ =	swait.ge [sflag:s22], s20  }
0x9f: {  	s3 =	ssub.s32 $0x0, s20;
	[sflag:s22] =	ssyncset.done $0x0  }
0xa0: {  	[sflag:s22] =	ssyncadd.s32 s3;
	_ =	sdelay $0x1  }
0xa1: {  	s23 =	simm.s32 $0x1B8B  }
0xa2: {  	_ =	swait.ge [sflag:s23], $0x1  }
0xa3: {  	[sflag:s23] =	ssyncset.done $0x0  }
0xa4: {  	s25 =	simm.s32 $0x1B8E;
	s24 =	sld [smem:$0x3FFE];
	[sflag:s23] =	ssyncadd.s32 $0xFFFFFFFF  }
0xa5: {  	s26 =	simm.s32 $execute0_lowered;
	[smem:$0x3FD2] =	sst s25  }
0xa6: {  	s4 =	sshll.u32 s26, $0x1;
	_ =	strace $0x80000046;
	[dreg:$0x1] =	wrdreg $0xFFFFFFFF  }
0xa7: {  	s28 =	simm.s32 $_size_execute0_lowered;
	s2 =	sadd.s32 s2, s4;
	[dreg:$0x0] =	wrdreg $0x0  }
0xa8: {  	s4 =	sshll.u32 s28, $0x1;
	[dreg:$0x2] =	wrdreg s2  }
0xa9: {  	[dreg:$0x3] =	wrdreg s4  }
0xaa: {  	[dreg:$0x4] =	wrdreg $0xC0  }
0xab: {  	_ =	task [dreg:s6], $0x5FFFF  }
0xac: {  	[dreg:$0x1] =	wrdreg $0xFFFFFFFF  }
0xad: {  	[dreg:$0x0] =	wrdreg $0x60  }
0xae: {  	[dreg:$0x2] =	wrdreg s24  }
0xaf: {  	[dreg:$0x3] =	wrdreg $0x9  }
0xb0: {  	_ =	task.clear_ibuf [dreg:s6], $0x4FFFF;
	_ =	strace $0x90000046  }
0xb1: {  	s29 =	simm.s32 $0x9;
	_ =	strace $0x80000048  }
0xb2: {  	_ =	swait.ge [sflag:s29], $0x1  }
0xb3: {  	[sflag:s29] =	ssyncadd.s32 $0xFFFFFFFF  }
0xb4: {  	_ =	strace $0x90000048  }
0xb5: {  	_ =	sfence  }
0xb6: {  	s30 =	sld [smem:$0x0];
	_ =	sdelay $0x2  }
0xb7: {  	s31 =	sshll.u32 s1, $0xD;
	s1 =	sshrl.u32 s1, $0x2  }
0xb8: {  	s3 =	sand.u32 $0x4000, s31;
	s1 =	sadd.s32 s1, s30  }
0xb9: {  	s0 =	sor.u32 s3, s0;
	s1 =	sshll.u32 s1, $0x11  }
0xba: {  	s0 =	sor.u32 s1, s0  }
0xbb: {  	s0 =	sadd.s32 $0x8F2B, s0  }
0xbc: {  	[sflag:s0] =	ssyncadd.remote.s32 $0x1  }
0xbd: {  	_ =	sfence.sel $0xFFFF  }
0xbe: {  	[dreg:$0x0] =	wrdreg $0xFFFFFFFF;
	(pc) =	sbr.abs _section_cstart, $3  }
0xbf: {  	[dreg:$0x1] =	wrdreg $0xFFFFFFFF  }
0xc0: {  	_ =	task.clear_ibuf [dreg:s6], $0x2FFFF;
	_ =	strace $0x9FFFFFFF  }
0xc1: {  	(tm) =	ssettm $0x7FFFFFFF  }
tec
execute0_lowered:
.L_overlay_start_1:
0x0: {  	(tag) =	ssettag $0x1  }
0x1: {  	s1 =	srdreg.scid;
	s6 =	rddreg [dreg:$0x0]  }
0x2: {  	s2 =	simm.s32 $0x0;
	s4 =	sand.u32 $0x1, s1;
	s1 =	rddreg [dreg:$0x1]  }
0x3: {  	s13 =	simm.s32 $0x320;
	[smem:$0x7FF] =	sst s2  }
0x4: {  	s14 =	simm.s32 $0x388;
	_ =	strace $0x80000047;
	[dreg:$0x4] =	wrdreg s13  }
0x5: {  	s16 =	simm.s32 $0xE840;
	[dreg:$0x5] =	wrdreg s14  }
0x6: {  	s17 =	simm.s32 $0x3E8;
	[dreg:$0x6] =	wrdreg s16  }
0x7: {  	s18 =	simm.s32 $0x10040;
	[dreg:$0x7] =	wrdreg s17  }
0x8: {  	s19 =	simm.s32 $0x450;
	[dreg:$0x8] =	wrdreg s18  }
0x9: {  	s21 =	simm.s32 $0x11A40;
	[dreg:$0x9] =	wrdreg s19  }
0xa: {  	s0 =	stileid.u32;
	s23 =	simm.s32 $0x4B0;
	[dreg:$0xa] =	wrdreg s21  }
0xb: {  	s24 =	simm.s32 $0x13240;
	s26 =	simm.s32 $0x518;
	[dreg:$0xb] =	wrdreg s23  }
0xc: {  	s28 =	simm.s32 $0x14C40;
	s29 =	simm.s32 $0x578;
	[dreg:$0xc] =	wrdreg s24  }
0xd: {  	s30 =	simm.s32 $0x16440;
	s3 =	smul.u32 $0x1900000, s0;
	[dreg:$0xd] =	wrdreg s26  }
0xe: {  	s31 =	simm.s32 $0x5E0;
	s11 =	smul.u32 $0x320000, s0;
	[dreg:$0xe] =	wrdreg s28  }
0xf: {  	s10 =	simm.s32 $0x17E40;
	s15 =	smul.u32 $0x6400, s0;
	[dreg:$0xf] =	wrdreg s29  }
0x10: {  	s9 =	simm.s32 $0x60;
	s5 =	smul.u32 $0xC80000, s4;
	[dreg:$0x10] =	wrdreg s30  }
0x11: {  	s7 =	sadd.s32 $0x805A00, s6;
	s8 =	smul.u32 $0x190000, s4;
	[dreg:$0x11] =	wrdreg s31  }
0x12: {  	s20 =	ssub.s32 $0x2, s4;
	s25 =	smul.u32 $0x3200, s4;
	[dreg:$0x12] =	wrdreg s10  }
0x13: {  	s10 =	simm.s32 $0x1;
	s13 =	simm.s32 $0x640;
	s14 =	simm.s32 $0x3  }
0x14: {  	s16 =	simm.s32 $0x0;
	s22 =	sshrl.u32 s20, $0x1;
	[dreg:$0x13] =	wrdreg s13  }
0x15: {  	s13 =	simm.s32 $0x2;
	s3 =	sadd.s32 s5, s3;
	s5 =	sadd.s32 s11, s7  }
0x16: {  	s11 =	simm.s32 $0x40;
	s3 =	sor.u32 $0x19000, s3;
	s12 =	sadd.s32 s8, s5  }
0x17: {  	s5 =	sadd.s32 s15, s6;
	s8 =	simm.s32 $0xCE40;
	s15 =	simm.s32 $0x4  }
0x18: {  	s3 =	sshrl.u32 s3, $0x3;
	[dreg:$0x3] =	wrdreg s12;
	s5 =	sadd.s32 s25, s5  }
0x19: {  	s12 =	simm.s32 $0x80;
	s3 =	sadd.s32 s3, s7;
	s7 =	ssub.s32 s20, s22  }
0x1a: {  	s5 =	sadd.s32 $0x800, s5;
	[dreg:$0x2] =	wrdreg s3;
	s3 =	sadd.s32 $0x64800, s6  }
0x1b: {  	s4 =	smax.u32 s7, $0x1;
	s6 =	simm.s32 $0x5;
	s7 =	simm.s32 $0x68  }
.LBB2_1:
0x1c: {  	[tilespmem:s2], [sflag:$0x5] =	stream.linear.gather [hbm4b:s5+s2], $0x640, $0x38;
	[tilespmem:$0x19640] =	vst v63  }
0x1d: {  	p0 =	por $0x1, $0x1;
	_ =	swait.ge [sflag:s6], $0x640  }
0x1e: {  	s17 =	simm.s32 @p0 $0x68;
	[sflag:s6] =	ssyncset.done $0x0  }
0x1f: {  	s18 =	simm.s32 @p0 $0x0;
	s19 =	simm.s32 @p0 $0x640;
	[sflag:s6] =	ssyncadd.s32 $0xFFFFF9C0  }
0x20: {  	[tilespmem:s19], [sflag:$0x1] =	stream.indirect.gather @p0 [hbm4b:s3+s17], $0x40, s18, s17, $0xb8;
	[tilespmem:$0x19640] =	vst v63  }
0x21: {  	s18 =	simm.s32 @p0 $0x60;
	s19 =	simm.s32 @p0 $0x2040  }
0x22: {  	[tilespmem:s19], [sflag:$0x1] =	stream.indirect.gather @p0 [hbm4b:s3+s18], $0x40, s17, s18, $0xb8;
	[tilespmem:$0x19640] =	vst v63  }
0x23: {  	s20 =	simm.s32 @p0 $0x3840;
	s19 =	simm.s32 @p0 $0xC8  }
0x24: {  	[tilespmem:s20], [sflag:$0x1] =	stream.indirect.gather @p0 [hbm4b:s3+s17], $0x40, s19, s17, $0xb8;
	[tilespmem:$0x19640] =	vst v63  }
0x25: {  	s19 =	simm.s32 @p0 $0x130;
	s20 =	simm.s32 @p0 $0x5240  }
0x26: {  	[tilespmem:s20], [sflag:$0x1] =	stream.indirect.gather @p0 [hbm4b:s3+s18], $0x40, s19, s18, $0xb8;
	[tilespmem:$0x19640] =	vst v63  }
0x27: {  	s19 =	simm.s32 @p0 $0x190;
	s20 =	simm.s32 @p0 $0x6A40  }
0x28: {  	[tilespmem:s20], [sflag:$0x1] =	stream.indirect.gather @p0 [hbm4b:s3+s17], $0x40, s19, s17, $0xb8;
	[tilespmem:$0x19640] =	vst v63  }
0x29: {  	s19 =	simm.s32 @p0 $0x1F8;
	s20 =	simm.s32 @p0 $0x8440  }
0x2a: {  	[tilespmem:s20], [sflag:$0x1] =	stream.indirect.gather @p0 [hbm4b:s3+s18], $0x40, s19, s18, $0xb8;
	[tilespmem:$0x19640] =	vst v63  }
0x2b: {  	s19 =	simm.s32 @p0 $0x258;
	s20 =	simm.s32 @p0 $0x9C40  }
0x2c: {  	[tilespmem:s20], [sflag:$0x1] =	stream.indirect.gather @p0 [hbm4b:s3+s17], $0x40, s19, s17, $0xb8;
	[tilespmem:$0x19640] =	vst v63  }
0x2d: {  	s17 =	simm.s32 @p0 $0x2C0;
	s19 =	simm.s32 @p0 $0xB640;
	s20 =	simm.s32 @!p0 $0x3  }
0x2e: {  	[tilespmem:s19], [sflag:$0x1] =	stream.indirect.gather @p0 [hbm4b:s3+s18], $0x40, s17, s18, $0xb8;
	[tilespmem:$0x19640] =	vst v63  }
0x2f: {  	_ =	swait.ge @!p0 [sflag:s20], $0xC800  }
0x30: {  	s17 =	simm.s32 @!p0 $0x640;
	[sflag:s20] =	ssyncset.done @!p0 $0x0  }
0x31: {  	s18 =	simm.s32 @!p0 $0x68;
	s19 =	simm.s32 @!p0 $0x0;
	[sflag:s20] =	ssyncadd.s32 @!p0 $0xFFFF3800  }
0x32: {  	[tilespmem:s17], [sflag:$0x1] =	stream.indirect.gather @!p0 [hbm4b:s3+s18], $0x40, s19, s18, $0xb8;
	[tilespmem:$0x19640] =	vst v63  }
0x33: {  	s17 =	simm.s32 @!p0 $0x60;
	s19 =	simm.s32 @!p0 $0x2040  }
0x34: {  	[tilespmem:s19], [sflag:$0x1] =	stream.indirect.gather @!p0 [hbm4b:s3+s17], $0x40, s18, s17, $0xb8;
	[tilespmem:$0x19640] =	vst v63  }
0x35: {  	s20 =	simm.s32 @!p0 $0x3840;
	s19 =	simm.s32 @!p0 $0xC8  }
0x36: {  	[tilespmem:s20], [sflag:$0x1] =	stream.indirect.gather @!p0 [hbm4b:s3+s18], $0x40, s19, s18, $0xb8;
	[tilespmem:$0x19640] =	vst v63  }
0x37: {  	s19 =	simm.s32 @!p0 $0x130;
	s20 =	simm.s32 @!p0 $0x5240  }
0x38: {  	[tilespmem:s20], [sflag:$0x1] =	stream.indirect.gather @!p0 [hbm4b:s3+s17], $0x40, s19, s17, $0xb8;
	[tilespmem:$0x19640] =	vst v63  }
0x39: {  	s19 =	simm.s32 @!p0 $0x190;
	s20 =	simm.s32 @!p0 $0x6A40  }
0x3a: {  	[tilespmem:s20], [sflag:$0x1] =	stream.indirect.gather @!p0 [hbm4b:s3+s18], $0x40, s19, s18, $0xb8;
	[tilespmem:$0x19640] =	vst v63  }
0x3b: {  	s19 =	simm.s32 @!p0 $0x1F8;
	s20 =	simm.s32 @!p0 $0x8440  }
0x3c: {  	[tilespmem:s20], [sflag:$0x1] =	stream.indirect.gather @!p0 [hbm4b:s3+s17], $0x40, s19, s17, $0xb8;
	[tilespmem:$0x19640] =	vst v63  }
0x3d: {  	s19 =	simm.s32 @!p0 $0x258;
	s20 =	simm.s32 @!p0 $0x9C40  }
0x3e: {  	[tilespmem:s20], [sflag:$0x1] =	stream.indirect.gather @!p0 [hbm4b:s3+s18], $0x40, s19, s18, $0xb8;
	[tilespmem:$0x19640] =	vst v63  }
0x3f: {  	s18 =	simm.s32 @!p0 $0x2C0;
	s19 =	simm.s32 @!p0 $0xB640;
	s20 =	simm.s32 @!p0 $0x4  }
0x40: {  	[tilespmem:s19], [sflag:$0x1] =	stream.indirect.gather @!p0 [hbm4b:s3+s17], $0x40, s18, s17, $0xb8;
	[tilespmem:$0x19640] =	vst v63  }
0x41: {  	_ =	swait.ge @!p0 [sflag:s20], $0xC800  }
0x42: {  	s17 =	rddreg [dreg:$0x12]  }
0x43: {  	s18 =	rddreg [dreg:$0x10]  }
0x44: {  	s19 =	rddreg [dreg:$0xe]  }
0x45: {  	s21 =	rddreg [dreg:$0x7]  }
0x46: {  	s22 =	rddreg [dreg:$0x5]  }
0x47: {  	s23 =	rddreg [dreg:$0x6]  }
0x48: {  	s24 =	rddreg [dreg:$0x4];
	[sflag:s20] =	ssyncset.done @!p0 $0x0  }
0x49: {  	s25 =	rddreg [dreg:$0xc];
	[sflag:s20] =	ssyncadd.s32 @!p0 $0xFFFF3800  }
0x4a: {  	[tilespmem:s8], [sflag:$0x2] =	stream.indirect.gather [hbm4b:s3+s7], $0x40, s24, s7, $0xb8;
	[tilespmem:$0x19640] =	vst v63  }
0x4b: {  	s29 =	rddreg [dreg:$0x8]  }
0x4c: {  	[tilespmem:s23], [sflag:$0x2] =	stream.indirect.gather [hbm4b:s3+s9], $0x40, s22, s9, $0xb8;
	[tilespmem:$0x19640] =	vst v63  }
0x4d: {  	s30 =	rddreg [dreg:$0xa]  }
0x4e: {  	[tilespmem:s29], [sflag:$0x2] =	stream.indirect.gather [hbm4b:s3+s7], $0x40, s21, s7, $0xb8;
	[tilespmem:$0x19640] =	vst v63  }
0x4f: {  	s31 =	rddreg [dreg:$0x9]  }
0x50: {  	[tilespmem:s30], [sflag:$0x2] =	stream.indirect.gather [hbm4b:s3+s9], $0x40, s31, s9, $0xb8;
	[tilespmem:$0x19640] =	vst v63  }
0x51: {  	s23 =	rddreg [dreg:$0xb]  }
0x52: {  	[tilespmem:s25], [sflag:$0x2] =	stream.indirect.gather [hbm4b:s3+s7], $0x40, s23, s7, $0xb8;
	[tilespmem:$0x19640] =	vst v63  }
0x53: {  	s26 =	rddreg [dreg:$0xd]  }
0x54: {  	[tilespmem:s19], [sflag:$0x2] =	stream.indirect.gather [hbm4b:s3+s9], $0x40, s26, s9, $0xb8;
	[tilespmem:$0x19640] =	vst v63  }
0x55: {  	s28 =	rddreg [dreg:$0xf]  }
0x56: {  	[tilespmem:s18], [sflag:$0x2] =	stream.indirect.gather [hbm4b:s3+s7], $0x40, s28, s7, $0xb8;
	[tilespmem:$0x19640] =	vst v63  }
0x57: {  	s29 =	rddreg [dreg:$0x11]  }
0x58: {  	[tilespmem:s17], [sflag:$0x2] =	stream.indirect.gather [hbm4b:s3+s9], $0x40, s29, s9, $0xb8;
	[tilespmem:$0x19640] =	vst v63  }
0x59: {  	_ =	swait.ge [sflag:s10], $0x1A00  }
0x5a: {  	[sflag:s10] =	ssyncset.done $0x0  }
0x5b: {  	[sflag:s10] =	ssyncadd.s32 $0xFFFFE600  }
0x5c: {  	_ =	swait.ge [sflag:s10], $0x1800  }
0x5d: {  	[sflag:s10] =	ssyncset.done $0x0  }
0x5e: {  	[sflag:s10] =	ssyncadd.s32 $0xFFFFE800  }
0x5f: {  	_ =	swait.ge [sflag:s10], $0x1A00  }
0x60: {  	[sflag:s10] =	ssyncset.done $0x0  }
0x61: {  	[sflag:s10] =	ssyncadd.s32 $0xFFFFE600  }
0x62: {  	_ =	swait.ge [sflag:s10], $0x1800  }
0x63: {  	[sflag:s10] =	ssyncset.done $0x0  }
0x64: {  	[sflag:s10] =	ssyncadd.s32 $0xFFFFE800  }
0x65: {  	_ =	swait.ge [sflag:s10], $0x1A00  }
0x66: {  	[sflag:s10] =	ssyncset.done $0x0  }
0x67: {  	[sflag:s10] =	ssyncadd.s32 $0xFFFFE600  }
0x68: {  	_ =	swait.ge [sflag:s10], $0x1800  }
0x69: {  	[sflag:s10] =	ssyncset.done $0x0  }
0x6a: {  	[sflag:s10] =	ssyncadd.s32 $0xFFFFE800  }
0x6b: {  	_ =	swait.ge [sflag:s10], $0x1A00  }
0x6c: {  	[sflag:s10] =	ssyncset.done $0x0  }
0x6d: {  	[sflag:s10] =	ssyncadd.s32 $0xFFFFE600  }
0x6e: {  	_ =	swait.ge [sflag:s10], $0x1800  }
0x6f: {  	s30 =	rddreg [dreg:$0x3];
	[sflag:s10] =	ssyncset.done $0x0  }
0x70: {  	s31 =	rddreg [dreg:$0x13];
	[sflag:s10] =	ssyncadd.s32 $0xFFFFE800;
	s17 =	sadd.s32 $0x0, s30  }
0x71: {  	[hbm4b:s17+s11] =	stream.strided.scatter [tilespmem:s31], [sflag:$0x3], $0xC800, s12, s11, $0x38;
	[tilespmem:$0x19640] =	vst v63  }
0x72: {  	_ =	swait.ge [sflag:s13], $0x1A00  }
0x73: {  	[sflag:s13] =	ssyncset.done $0x0  }
0x74: {  	[sflag:s13] =	ssyncadd.s32 $0xFFFFE600  }
0x75: {  	_ =	swait.ge [sflag:s13], $0x1800  }
0x76: {  	[sflag:s13] =	ssyncset.done $0x0  }
0x77: {  	[sflag:s13] =	ssyncadd.s32 $0xFFFFE800  }
0x78: {  	_ =	swait.ge [sflag:s13], $0x1A00  }
0x79: {  	[sflag:s13] =	ssyncset.done $0x0  }
0x7a: {  	[sflag:s13] =	ssyncadd.s32 $0xFFFFE600  }
0x7b: {  	_ =	swait.ge [sflag:s13], $0x1800  }
0x7c: {  	[sflag:s13] =	ssyncset.done $0x0  }
0x7d: {  	[sflag:s13] =	ssyncadd.s32 $0xFFFFE800  }
0x7e: {  	_ =	swait.ge [sflag:s13], $0x1A00  }
0x7f: {  	[sflag:s13] =	ssyncset.done $0x0  }
0x80: {  	[sflag:s13] =	ssyncadd.s32 $0xFFFFE600  }
0x81: {  	_ =	swait.ge [sflag:s13], $0x1800  }
0x82: {  	[sflag:s13] =	ssyncset.done $0x0  }
0x83: {  	s19 =	smov.u32 s5;
	[sflag:s13] =	ssyncadd.s32 $0xFFFFE800  }
0x84: {  	s18 =	simm.s32 $0x6400;
	s17 =	simm.s32 $0x0;
	_ =	swait.ge [sflag:s13], $0x1A00  }
.LBB2_2:
0x85: {  	[sflag:s13] =	ssyncset.done $0x0  }
0x86: {  	[sflag:s13] =	ssyncadd.s32 $0xFFFFE600  }
0x87: {  	_ =	swait.ge [sflag:s13], $0x1800  }
0x88: {  	[sflag:s13] =	ssyncset.done $0x0;
	s21 =	rddreg [dreg:$0x2]  }
0x89: {  	s20 =	smov.u32 s18;
	[sflag:s13] =	ssyncadd.s32 $0xFFFFE800;
	s21 =	sadd.s32 s17, s21  }
0x8a: {  	[hbm4b:s21+s11] =	stream.strided.scatter [tilespmem:s8], [sflag:$0x4], $0xC800, s12, s11, $0x38;
	[tilespmem:$0x19640] =	vst v63  }
0x8b: {  	s19 =	sadd.s32 $0xC8, s19;
	s17 =	smov.u32 s20  }
0x8c: {  	[tilespmem:s2], [sflag:$0x5] =	stream.linear.gather [hbm4b:s19+s2], $0x640, $0x38;
	[tilespmem:$0x19640] =	vst v63  }
0x8d: {  	p1 =	seq.s32 s17, $0x0;
	_ =	swait.ge [sflag:s6], $0x640  }
0x8e: {  	s20 =	simm.s32 @p1 $0x68;
	[sflag:s6] =	ssyncset.done $0x0  }
0x8f: {  	s21 =	simm.s32 @p1 $0x0;
	s22 =	simm.s32 @p1 $0x640;
	[sflag:s6] =	ssyncadd.s32 $0xFFFFF9C0  }
0x90: {  	[tilespmem:s22], [sflag:$0x1] =	stream.indirect.gather @p1 [hbm4b:s3+s20], $0x40, s21, s20, $0xb8;
	[tilespmem:$0x19640] =	vst v63  }
0x91: {  	s21 =	simm.s32 @p1 $0x60;
	s22 =	simm.s32 @p1 $0x2040  }
0x92: {  	[tilespmem:s22], [sflag:$0x1] =	stream.indirect.gather @p1 [hbm4b:s3+s21], $0x40, s20, s21, $0xb8;
	[tilespmem:$0x19640] =	vst v63  }
0x93: {  	s23 =	simm.s32 @p1 $0x3840;
	s22 =	simm.s32 @p1 $0xC8  }
0x94: {  	[tilespmem:s23], [sflag:$0x1] =	stream.indirect.gather @p1 [hbm4b:s3+s20], $0x40, s22, s20, $0xb8;
	[tilespmem:$0x19640] =	vst v63  }
0x95: {  	s22 =	simm.s32 @p1 $0x130;
	s23 =	simm.s32 @p1 $0x5240  }
0x96: {  	[tilespmem:s23], [sflag:$0x1] =	stream.indirect.gather @p1 [hbm4b:s3+s21], $0x40, s22, s21, $0xb8;
	[tilespmem:$0x19640] =	vst v63  }
0x97: {  	s22 =	simm.s32 @p1 $0x190;
	s23 =	simm.s32 @p1 $0x6A40  }
0x98: {  	[tilespmem:s23], [sflag:$0x1] =	stream.indirect.gather @p1 [hbm4b:s3+s20], $0x40, s22, s20, $0xb8;
	[tilespmem:$0x19640] =	vst v63  }
0x99: {  	s22 =	simm.s32 @p1 $0x1F8;
	s23 =	simm.s32 @p1 $0x8440  }
0x9a: {  	[tilespmem:s23], [sflag:$0x1] =	stream.indirect.gather @p1 [hbm4b:s3+s21], $0x40, s22, s21, $0xb8;
	[tilespmem:$0x19640] =	vst v63  }
0x9b: {  	s22 =	simm.s32 @p1 $0x258;
	s23 =	simm.s32 @p1 $0x9C40  }
0x9c: {  	[tilespmem:s23], [sflag:$0x1] =	stream.indirect.gather @p1 [hbm4b:s3+s20], $0x40, s22, s20, $0xb8;
	[tilespmem:$0x19640] =	vst v63  }
0x9d: {  	s20 =	simm.s32 @p1 $0x2C0;
	s22 =	simm.s32 @p1 $0xB640;
	s23 =	simm.s32 @!p1 $0x3  }
0x9e: {  	[tilespmem:s22], [sflag:$0x1] =	stream.indirect.gather @p1 [hbm4b:s3+s21], $0x40, s20, s21, $0xb8;
	[tilespmem:$0x19640] =	vst v63  }
0x9f: {  	_ =	swait.ge @!p1 [sflag:s23], $0xC800  }
0xa0: {  	s20 =	simm.s32 @!p1 $0x640;
	[sflag:s23] =	ssyncset.done @!p1 $0x0  }
0xa1: {  	s21 =	simm.s32 @!p1 $0x68;
	s22 =	simm.s32 @!p1 $0x0;
	[sflag:s23] =	ssyncadd.s32 @!p1 $0xFFFF3800  }
0xa2: {  	[tilespmem:s20], [sflag:$0x1] =	stream.indirect.gather @!p1 [hbm4b:s3+s21], $0x40, s22, s21, $0xb8;
	[tilespmem:$0x19640] =	vst v63  }
0xa3: {  	s20 =	simm.s32 @!p1 $0x60;
	s22 =	simm.s32 @!p1 $0x2040  }
0xa4: {  	[tilespmem:s22], [sflag:$0x1] =	stream.indirect.gather @!p1 [hbm4b:s3+s20], $0x40, s21, s20, $0xb8;
	[tilespmem:$0x19640] =	vst v63  }
0xa5: {  	s23 =	simm.s32 @!p1 $0x3840;
	s22 =	simm.s32 @!p1 $0xC8  }
0xa6: {  	[tilespmem:s23], [sflag:$0x1] =	stream.indirect.gather @!p1 [hbm4b:s3+s21], $0x40, s22, s21, $0xb8;
	[tilespmem:$0x19640] =	vst v63  }
0xa7: {  	s22 =	simm.s32 @!p1 $0x130;
	s23 =	simm.s32 @!p1 $0x5240  }
0xa8: {  	[tilespmem:s23], [sflag:$0x1] =	stream.indirect.gather @!p1 [hbm4b:s3+s20], $0x40, s22, s20, $0xb8;
	[tilespmem:$0x19640] =	vst v63  }
0xa9: {  	s22 =	simm.s32 @!p1 $0x190;
	s23 =	simm.s32 @!p1 $0x6A40  }
0xaa: {  	[tilespmem:s23], [sflag:$0x1] =	stream.indirect.gather @!p1 [hbm4b:s3+s21], $0x40, s22, s21, $0xb8;
	[tilespmem:$0x19640] =	vst v63  }
0xab: {  	s22 =	simm.s32 @!p1 $0x1F8;
	s23 =	simm.s32 @!p1 $0x8440  }
0xac: {  	[tilespmem:s23], [sflag:$0x1] =	stream.indirect.gather @!p1 [hbm4b:s3+s20], $0x40, s22, s20, $0xb8;
	[tilespmem:$0x19640] =	vst v63  }
0xad: {  	s22 =	simm.s32 @!p1 $0x258;
	s23 =	simm.s32 @!p1 $0x9C40  }
0xae: {  	[tilespmem:s23], [sflag:$0x1] =	stream.indirect.gather @!p1 [hbm4b:s3+s21], $0x40, s22, s21, $0xb8;
	[tilespmem:$0x19640] =	vst v63  }
0xaf: {  	s21 =	simm.s32 @!p1 $0x2C0;
	s22 =	simm.s32 @!p1 $0xB640;
	s23 =	simm.s32 @!p1 $0x4  }
0xb0: {  	[tilespmem:s22], [sflag:$0x1] =	stream.indirect.gather @!p1 [hbm4b:s3+s20], $0x40, s21, s20, $0xb8;
	[tilespmem:$0x19640] =	vst v63  }
0xb1: {  	_ =	swait.ge @!p1 [sflag:s23], $0xC800  }
0xb2: {  	s20 =	rddreg [dreg:$0x12]  }
0xb3: {  	s21 =	rddreg [dreg:$0x10]  }
0xb4: {  	s22 =	rddreg [dreg:$0xe]  }
0xb5: {  	s24 =	rddreg [dreg:$0x5]  }
0xb6: {  	s25 =	rddreg [dreg:$0x6]  }
0xb7: {  	s26 =	rddreg [dreg:$0x4]  }
0xb8: {  	[sflag:s23] =	ssyncset.done @!p1 $0x0;
	s28 =	rddreg [dreg:$0xc]  }
0xb9: {  	s29 =	rddreg [dreg:$0x8];
	[sflag:s23] =	ssyncadd.s32 @!p1 $0xFFFF3800  }
0xba: {  	[tilespmem:s8], [sflag:$0x2] =	stream.indirect.gather [hbm4b:s3+s7], $0x40, s26, s7, $0xb8;
	[tilespmem:$0x19640] =	vst v63  }
0xbb: {  	s30 =	rddreg [dreg:$0xa]  }
0xbc: {  	[tilespmem:s25], [sflag:$0x2] =	stream.indirect.gather [hbm4b:s3+s9], $0x40, s24, s9, $0xb8;
	[tilespmem:$0x19640] =	vst v63  }
0xbd: {  	s23 =	rddreg [dreg:$0x7]  }
0xbe: {  	[tilespmem:s29], [sflag:$0x2] =	stream.indirect.gather [hbm4b:s3+s7], $0x40, s23, s7, $0xb8;
	[tilespmem:$0x19640] =	vst v63  }
0xbf: {  	s31 =	rddreg [dreg:$0x9]  }
0xc0: {  	[tilespmem:s30], [sflag:$0x2] =	stream.indirect.gather [hbm4b:s3+s9], $0x40, s31, s9, $0xb8;
	[tilespmem:$0x19640] =	vst v63  }
0xc1: {  	s25 =	rddreg [dreg:$0xb]  }
0xc2: {  	[tilespmem:s28], [sflag:$0x2] =	stream.indirect.gather [hbm4b:s3+s7], $0x40, s25, s7, $0xb8;
	[tilespmem:$0x19640] =	vst v63  }
0xc3: {  	s26 =	rddreg [dreg:$0xd]  }
0xc4: {  	[tilespmem:s22], [sflag:$0x2] =	stream.indirect.gather [hbm4b:s3+s9], $0x40, s26, s9, $0xb8;
	[tilespmem:$0x19640] =	vst v63  }
0xc5: {  	s28 =	rddreg [dreg:$0xf]  }
0xc6: {  	[tilespmem:s21], [sflag:$0x2] =	stream.indirect.gather [hbm4b:s3+s7], $0x40, s28, s7, $0xb8;
	[tilespmem:$0x19640] =	vst v63  }
0xc7: {  	s29 =	rddreg [dreg:$0x11]  }
0xc8: {  	[tilespmem:s20], [sflag:$0x2] =	stream.indirect.gather [hbm4b:s3+s9], $0x40, s29, s9, $0xb8;
	[tilespmem:$0x19640] =	vst v63  }
0xc9: {  	_ =	swait.ge [sflag:s10], $0x1A00  }
0xca: {  	[sflag:s10] =	ssyncset.done $0x0  }
0xcb: {  	[sflag:s10] =	ssyncadd.s32 $0xFFFFE600  }
0xcc: {  	_ =	swait.ge [sflag:s10], $0x1800  }
0xcd: {  	[sflag:s10] =	ssyncset.done $0x0  }
0xce: {  	[sflag:s10] =	ssyncadd.s32 $0xFFFFE800  }
0xcf: {  	_ =	swait.ge [sflag:s10], $0x1A00  }
0xd0: {  	[sflag:s10] =	ssyncset.done $0x0  }
0xd1: {  	[sflag:s10] =	ssyncadd.s32 $0xFFFFE600  }
0xd2: {  	_ =	swait.ge [sflag:s10], $0x1800  }
0xd3: {  	[sflag:s10] =	ssyncset.done $0x0  }
0xd4: {  	[sflag:s10] =	ssyncadd.s32 $0xFFFFE800  }
0xd5: {  	_ =	swait.ge [sflag:s10], $0x1A00  }
0xd6: {  	[sflag:s10] =	ssyncset.done $0x0  }
0xd7: {  	[sflag:s10] =	ssyncadd.s32 $0xFFFFE600  }
0xd8: {  	_ =	swait.ge [sflag:s10], $0x1800  }
0xd9: {  	[sflag:s10] =	ssyncset.done $0x0  }
0xda: {  	[sflag:s10] =	ssyncadd.s32 $0xFFFFE800  }
0xdb: {  	_ =	swait.ge [sflag:s10], $0x1A00  }
0xdc: {  	[sflag:s10] =	ssyncset.done $0x0  }
0xdd: {  	[sflag:s10] =	ssyncadd.s32 $0xFFFFE600  }
0xde: {  	_ =	swait.ge [sflag:s10], $0x1800  }
0xdf: {  	s30 =	rddreg [dreg:$0x3];
	[sflag:s10] =	ssyncset.done $0x0  }
0xe0: {  	s31 =	rddreg [dreg:$0x13];
	[sflag:s10] =	ssyncadd.s32 $0xFFFFE800;
	s20 =	sadd.s32 s17, s30  }
0xe1: {  	[hbm4b:s20+s11] =	stream.strided.scatter [tilespmem:s31], [sflag:$0x3], $0xC800, s12, s11, $0x38;
	[tilespmem:$0x19640] =	vst v63  }
0xe2: {  	_ =	swait.ge [sflag:s13], $0x1A00  }
0xe3: {  	[sflag:s13] =	ssyncset.done $0x0  }
0xe4: {  	[sflag:s13] =	ssyncadd.s32 $0xFFFFE600  }
0xe5: {  	_ =	swait.ge [sflag:s13], $0x1800  }
0xe6: {  	[sflag:s13] =	ssyncset.done $0x0  }
0xe7: {  	[sflag:s13] =	ssyncadd.s32 $0xFFFFE800  }
0xe8: {  	_ =	swait.ge [sflag:s13], $0x1A00  }
0xe9: {  	[sflag:s13] =	ssyncset.done $0x0  }
0xea: {  	[sflag:s13] =	ssyncadd.s32 $0xFFFFE600  }
0xeb: {  	_ =	swait.ge [sflag:s13], $0x1800  }
0xec: {  	[sflag:s13] =	ssyncset.done $0x0  }
0xed: {  	[sflag:s13] =	ssyncadd.s32 $0xFFFFE800  }
0xee: {  	s18 =	sadd.s32 $0x6400, s18;
	_ =	swait.ge [sflag:s13], $0x1A00  }
0xef: {  	p0 =	sne.s32 s18, $0x190000;
	[sflag:s13] =	ssyncset.done $0x0  }
.Ltmp0:
0xf0: {  	[sflag:s13] =	ssyncadd.s32 $0xFFFFE600;
	(pc) =	sbr.rel @p0 .LBB2_2-.Ltmp0, $4  }
0xf1: {  	_ =	swait.ge [sflag:s13], $0x1800  }
0xf2: {  	[sflag:s13] =	ssyncset.done $0x0  }
0xf3: {  	[sflag:s13] =	ssyncadd.s32 $0xFFFFE800  }
0xf4: {  	_ =	swait.ge [sflag:s13], $0x1A00  }
0xf5: {  	[sflag:s13] =	ssyncset.done $0x0  }
0xf6: {  	[sflag:s13] =	ssyncadd.s32 $0xFFFFE600  }
0xf7: {  	_ =	swait.ge [sflag:s13], $0x1800  }
0xf8: {  	s18 =	rddreg [dreg:$0x2];
	[sflag:s13] =	ssyncset.done $0x0  }
0xf9: {  	s16 =	sadd.s32 $0x1, s16;
	[sflag:s13] =	ssyncadd.s32 $0xFFFFE800;
	s17 =	sadd.s32 s17, s18  }
0xfa: {  	[hbm4b:s17+s11] =	stream.strided.scatter [tilespmem:s8], [sflag:$0x4], $0xC800, s12, s11, $0x38;
	[tilespmem:$0x19640] =	vst v63  }
0xfb: {  	p0 =	sne.s32 s16, s4;
	_ =	swait.ge [sflag:s14], $0xC800  }
.Ltmp1:
0xfc: {  	[sflag:s14] =	ssyncset.done $0x0;
	(pc) =	sbr.rel @p0 .LBB2_1-.Ltmp1, $4  }
0xfd: {  	[sflag:s14] =	ssyncadd.s32 $0xFFFF3800  }
0xfe: {  	_ =	swait.ge [sflag:s15], $0xC800  }
0xff: {  	[sflag:s15] =	ssyncset.done $0x0  }
0x100: {  	[sflag:s15] =	ssyncadd.s32 $0xFFFF3800  }
0x101: {  	_ =	sfence.sel $0x180000  }
0x102: {  	[bflag:$0x0] =	sbarrier.arrive $0xFFFF  }
0x103: {  	p0 =	sne.s32 s0, $0x0;
	_ =	strace $0x90000047  }
0x104: {  	s0 =	sadd.s32 @!p0 $0x100000, s1;
	[bflag:$0x2] =	sbarrier.arrive $0xFFFF  }
0x105: {  	[sflag:s0] =	ssyncadd.tile.s32 @!p0 $0x1;
	_ =	shalt  }
.Lfunc_end2:
_tile_overlayer_lowered:
.L_overlay_start_2:
0x106: {  	(tag) =	ssettag $0x2  }
0x107: {  	s0 =	rddreg [dreg:$0x0];
	s2 =	stileid.u32  }
0x108: {  	s1 =	rddreg [dreg:$0x1];
	p0 =	sne.s32 s2, $0x0  }
0x109: {  	s3 =	rddreg [dreg:$0x2];
	[bflag:$0x3] =	sbarrier.arrive $0xFFFF;
	s2 =	simm.s32 @!p0 $0x1C05  }
0x10a: {  	[timem:s3], [sflag:s2] =	dma.local @!p0 [hbm:s0], s1  }
0x10b: {  	s0 =	simm.s32 @!p0 $0x5  }
0x10c: {  	_ =	swait.ge @!p0 [sflag:s0], s1  }
0x10d: {  	s1 =	ssub.s32 @!p0 $0x0, s1;
	[sflag:s0] =	ssyncset.done @!p0 $0x0  }
0x10e: {  	[sflag:s0] =	ssyncadd.s32 @!p0 s1  }
0x10f: {  	[bflag:$0x3] =	sbarrier.arrive $0xFFFF  }
0x110: {  	_ =	shalt  }

// kernel: sparse-core-data-format-call.cloned.1.call-start
scs
called_computation_lowered:
.L_overlay_start_0:
0x0: {  	s2 =	sld [smem:$0x3FD9]  }
0x1: {  	s3 =	sld [smem:$0x3FFE];
	_ =	sdelay $0x1  }
0x2: {  	s1 =	srdreg.scid  }
0x3: {  	s0 =	sand.u32 $0x1, s1  }
0x4: {  	s18 =	sshll.u32 s0, $0xA;
	s2 =	sadd.s32 s3, s2  }
0x5: {  	s2 =	sadd.s32 s2, s18  }
0x6: {  	[smem:$0x3FC6] =	sst s2  }
0x7: {  	_ = 	snop  }
0x8: {  	s2 =	sld [smem:$0x3FD0];
	(tm) =	ssettm $0x1  }
0x9: {  	s19 =	sld [smem:$0x3FFB];
	_ =	sdelay $0x3  }
0xa: {  	_ =	strace s19  }
0xb: {  	s3 =	sld [smem:$0x3FFC];
	_ =	sdelay $0x3  }
0xc: {  	_ =	strace s3  }
0xd: {  	s3 =	sld [smem:$0x3FFD];
	_ =	sdelay $0x3  }
0xe: {  	_ =	strace s3  }
0xf: {  	_ =	strace $0x8FFFFFFF  }
0x10: {  	s20 =	sld [smem:$0x3FDB];
	_ =	sdelay $0x1  }
0x11: {  	s4 =	simm.s32 $_scs_section_size  }
0x12: {  	s5 =	simm.s32 $_size__tile_overlayer_lowered;
	s6 =	simm.s32 $_tile_overlayer_lowered  }
0x13: {  	s23 =	simm.s32 $0x1BFF;
	s22 =	sshll.u32 s6, $0x1;
	s3 =	sadd.s32 s4, s20  }
0x14: {  	s7 =	simm.s32 $0x0;
	s21 =	sshll.u32 s5, $0x1;
	s5 =	sadd.s32 s22, s3  }
0x15: {  	[timem:s7], [sflag:s23] =	dma.local [hbm:s5], s21  }
0x16: {  	_ =	swait.ge [sflag:s23], s21  }
0x17: {  	s4 =	ssub.s32 $0x0, s21;
	[sflag:s23] =	ssyncset.done $0x0  }
0x18: {  	[sflag:s23] =	ssyncadd.s32 s4;
	_ =	sdelay $0x1  }
0x19: {  	s24 =	simm.s32 $0x1B8B  }
0x1a: {  	_ =	swait.ge [sflag:s24], $0x1  }
0x1b: {  	[sflag:s24] =	ssyncset.done $0x0  }
0x1c: {  	s26 =	simm.s32 $0x1B8E;
	s25 =	sld [smem:$0x3FFE];
	[sflag:s24] =	ssyncadd.s32 $0xFFFFFFFF  }
0x1d: {  	s27 =	simm.s32 $execute0_lowered;
	[smem:$0x3FD2] =	sst s26  }
0x1e: {  	s5 =	sshll.u32 s27, $0x1;
	_ =	strace $0x80000049;
	[dreg:$0x1] =	wrdreg $0xFFFFFFFF  }
0x1f: {  	s28 =	simm.s32 $_size_execute0_lowered;
	s3 =	sadd.s32 s3, s5;
	[dreg:$0x0] =	wrdreg $0x0  }
0x20: {  	s5 =	sshll.u32 s28, $0x1;
	[dreg:$0x2] =	wrdreg s3  }
0x21: {  	[dreg:$0x3] =	wrdreg s5  }
0x22: {  	[dreg:$0x4] =	wrdreg $0xC0  }
0x23: {  	_ =	task [dreg:s7], $0x5FFFF  }
0x24: {  	[dreg:$0x1] =	wrdreg $0xFFFFFFFF  }
0x25: {  	[dreg:$0x0] =	wrdreg $0x60  }
0x26: {  	[dreg:$0x2] =	wrdreg s25  }
0x27: {  	[dreg:$0x3] =	wrdreg s2  }
0x28: {  	[dreg:$0x4] =	wrdreg $0x9  }
0x29: {  	_ =	task.clear_ibuf [dreg:s7], $0x5FFFF;
	_ =	strace $0x90000049  }
0x2a: {  	s29 =	simm.s32 $0x9;
	_ =	strace $0x8000004B  }
0x2b: {  	_ =	swait.ge [sflag:s29], $0x1  }
0x2c: {  	[sflag:s29] =	ssyncadd.s32 $0xFFFFFFFF  }
0x2d: {  	_ =	strace $0x9000004B  }
0x2e: {  	_ =	sfence  }
0x2f: {  	s30 =	sld [smem:$0x0];
	_ =	sdelay $0x2  }
0x30: {  	s31 =	sshll.u32 s1, $0xD;
	s1 =	sshrl.u32 s1, $0x2  }
0x31: {  	s3 =	sand.u32 $0x4000, s31;
	s1 =	sadd.s32 s1, s30  }
0x32: {  	s0 =	sor.u32 s3, s0;
	s1 =	sshll.u32 s1, $0x11  }
0x33: {  	s0 =	sor.u32 s1, s0  }
0x34: {  	s0 =	sadd.s32 $0x8F2B, s0  }
0x35: {  	[sflag:s0] =	ssyncadd.remote.s32 $0x1  }
0x36: {  	_ =	sfence.sel $0xFFFF  }
0x37: {  	[dreg:$0x0] =	wrdreg $0xFFFFFFFF;
	(pc) =	sbr.abs _section_cstart, $3  }
0x38: {  	[dreg:$0x1] =	wrdreg $0xFFFFFFFF  }
0x39: {  	_ =	task.clear_ibuf [dreg:s7], $0x2FFFF;
	_ =	strace $0x9FFFFFFF  }
0x3a: {  	(tm) =	ssettm $0x7FFFFFFF  }
0x3b: {  	_ =	shalt  }
tec
execute0_lowered:
.L_overlay_start_1:
0x0: {  	(tag) =	ssettag $0x1  }
0x1: {  	s0 =	srdreg.scid  }
0x2: {  	s1 =	sshll.u32 s0, $0x4  }
0x3: {  	s0 =	stileid.u32;
	s1 =	sand.u32 $0x10, s1  }
0x4: {  	s1 =	sor.u32 s0, s1  }
0x5: {  	s6 =	rddreg [dreg:$0x0];
	s4 =	simm.s32 $0x1;
	s2 =	sshll.u32 s1, $0x7  }
0x6: {  	s7 =	simm.s32 $0x2;
	s12 =	simm.s32 $0x0;
	s1 =	ssub.s32 $0x4000, s2  }
0x7: {  	s8 =	simm.s32 $0x20000;
	s13 =	simm.s32 $0x0;
	s3 =	sand.u32 $0xF80, s1  }
0x8: {  	s9 =	simm.s32 $0x0;
	s5 =	sshrl.u32 s1, $0xC;
	p0 =	sne.s32 s3, $0x0  }
.Ltmp0:
0x9: {  	s1 =	rddreg [dreg:$0x2];
	s4 =	simm.s32 @!p0 $0x0;
	(pc) =	sbr.rel .LBB1_1-.Ltmp0, $4  }
0xa: {  	s11 =	simm.s32 $0x0;
	s3 =	rddreg [dreg:$0x1];
	s5 =	sadd.s32 s4, s5  }
0xb: {  	_ =	strace $0x8000004A;
	s4 =	simm.s32 $0x1;
	s5 =	smul.u32 $0xC8, s5  }
0xc: {  	s6 =	sadd.s32 $0x805A00, s6;
	s10 =	smov.u32 s2;
	[sflag:s4] =	ssyncpa.u1 $0x0  }
0xd: {  	p0 =	por $0x0, $0x0;
	[sflag:s7] =	ssyncpa.u1 $0x0;
	s7 =	sor.u32 $0x1, s5  }
.LBB1_4:
0xe: {  	s16 =	sshll.u32 s13, $0x3;
	s17 =	sand.u32 $0x78, s13  }
0xf: {  	s30 =	sand.u32 $0x1F800, s13;
	s12 =	sshll.u32 s12, $0x11;
	s16 =	sand.u32 $0x3C00, s16  }
0x10: {  	[tilespmem:s15+$0x810 ss:$0x81] =	vst.msk $0xffff, v2;
	s31 =	sand.u32 $0x7, s13;
	s16 =	sor.u32 s17, s16;
	s17 =	sadd.s32 s3, s30  }
0x11: {  	[tilespmem:s15+$0x1020 ss:$0x81] =	vst.msk $0xffff, v0;
	s13 =	sshll.u32 s31, $0x12;
	s12 =	sadd.s32 s12, s17;
	s16 =	sshrl.u32 s16, $0x3  }
0x12: {  	[tilespmem:s15+$0x0 ss:$0x81] =	vst.msk $0xffff, v1;
	s13 =	sor.u32 $0x400, s13;
	s12 =	sadd.s32 s16, s12  }
0x13: {  	[hbm4b:s12+s13] =	stream.strided.scatter [tilespmem:s14], [sflag:$0x2], $0x2000, s8, s13, $0x20;
	[tilespmem:$0x8080] =	vst v63  }
.LBB1_5:
0x14: {  	s14 =	sadd.s32 $0x1, s9  }
0x15: {  	s12 =	sadd.s32 $0x1000, s10;
	s16 =	smov.u32 s10;
	p2 =	sgt.s32 s14, $0xC7  }
0x16: {  	s16 =	smov.u32 @p2 s12  }
0x17: {  	s14 =	simm.s32 @p2 $0x0;
	p2 =	sgt.s32 s16, $0x3FFF  }
0x18: {  	s16 =	smov.u32 @p2 s2;
	p2 =	sne.s32 s11, s7  }
.Ltmp1:
0x19: {  	p1 =	slt.u32 s11, $0x2;
	(pc) =	sbr.rel @!p2 .LBB1_6-.Ltmp1, $4  }
0x1a: {  	s15 =	simm.s32 @!p1 $0x2  }
0x1b: {  	s13 =	smov.u32 s10;
	p0 =	por !p0, !p0;
	_ =	swait.ge @!p1 [sflag:s15], $0x2000  }
0x1c: {  	s12 =	smov.u32 s9;
	[sflag:s15] =	ssyncset.done @!p1 $0x0;
	s9 =	smov.u32 s14  }
0x1d: {  	s11 =	sadd.s32 $0x1, s11;
	[sflag:s15] =	ssyncadd.s32 @!p1 $0xFFFFE000;
	s10 =	smov.u32 s16  }
.LBB1_1:
0x1e: {  	p1 =	sge.u32 s11, s5  }
0x1f: {  	s14 =	sand.u32 @!p1 $0x1FFFFFF, s9  }
0x20: {  	s15 =	smulhi.u32 @!p1 $0x147AE15, s14;
	_ =	sdelay $0x1  }
0x21: {  	s15 =	smul.u32 @!p1 $0xC8, s15  }
0x22: {  	s16 =	sxor.u32 @!p1 $0xFFFFFFFF, s11;
	s17 =	smul.u32 @!p1 $0xC80, s10  }
0x23: {  	s31 =	sadd.s32 $0xFFFFFFFF, s11;
	s16 =	sshll.u32 @!p1 s16, $0xD;
	s14 =	ssub.s32 @!p1 s14, s15  }
0x24: {  	s15 =	sand.u32 @!p1 $0x2000, s16;
	s16 =	sadd.s32 @!p1 s6, s17;
	s14 =	sshll.u32 @!p1 s14, $0x4  }
0x25: {  	s17 =	simm.s32 @!p1 $0x6400;
	s14 =	sadd.s32 @!p1 s14, s16;
	s16 =	simm.s32 @!p1 $0x40  }
0x26: {  	[tilespmem:s15], [sflag:$0x1] =	stream.strided.gather @!p1 [hbm4b:s14+s16], $0x2000, s17, s16, $0x38;
	[tilespmem:$0x8080] =	vst v63  }
0x27: {  	p1 =	sge.u32 s31, s5  }
.Ltmp2:
0x28: {  	_ = 	snop;
	(pc) =	sbr.rel @p1 .LBB1_5-.Ltmp2, $1  }
0x29: {  	_ =	sdelay $0x3  }
0x2a: {  	s14 =	simm.s32 $0x1  }
0x2b: {  	_ =	swait.ge [sflag:s4], $0x2000;
	s14 =	simm.s32 @!p0 $0x0  }
0x2c: {  	[sflag:s4] =	ssyncset.done $0x0;
	s15 =	sshll.u32 s14, $0xD  }
0x2d: {  	[sflag:s4] =	ssyncadd.s32 $0xFFFFE000;
	s18 =	sor.u32 $0x20, s15  }
0x2e: {  	s14 =	smul.u32 $0x8100, s14;
	v3 =	vld [tilespmem:s18+$0x10]  }
0x2f: {  	s30 =	sand.u32 $0x1, s11;
	v2 =	vld [tilespmem:s18+$0xFFFFFFF0]  }
0x30: {  	s15 =	smul.u32 $0x8100, s30;
	s14 =	sshrl.u32 s14, $0x2;
	v0 =	vld [tilespmem:s18+$0x0]  }
0x31: {  	v1 =	vld [tilespmem:s18+$0xFFFFFFE0];
	s16 =	sor.u32 $0x4000, s14  }
0x32: {  	s31 =	sshrl.u32 s15, $0x2;
	s15 =	sadd.s32 $0x0, s16  }
0x33: {  	s17 =	simm.s32 $0x4;
	s18 =	sadd.s32 $0x40, s18;
	s14 =	sor.u32 $0x4000, s31;
	[tilespmem:s15+$0x1830 ss:$0x81] =	vst.msk $0xffff, v3  }
.LBB1_3:
0x34: {  	v3 =	vld [tilespmem:s18+$0x10];
	p1 =	sne.s32 s17, $0x1FC;
	[tilespmem:s15+$0x810 ss:$0x81] =	vst.msk $0xffff, v2;
	s19 =	smov.u32 s17;
	s17 =	sadd.s32 $0x4, s17  }
.Ltmp3:
0x35: {  	v2 =	vld [tilespmem:s18+$0xFFFFFFF0];
	[tilespmem:s15+$0x1020 ss:$0x81] =	vst.msk $0xffff, v0;
	(pc) =	sbr.rel @p1 .LBB1_3-.Ltmp3, $4  }
0x36: {  	v0 =	vld [tilespmem:s18+$0x0];
	[tilespmem:s15+$0x0 ss:$0x81] =	vst.msk $0xffff, v1  }
0x37: {  	s15 =	sshra.s32 s19, $0x2;
	v1 =	vld [tilespmem:s18+$0xFFFFFFE0]  }
0x38: {  	s15 =	sadd.s32 s15, s16  }
0x39: {  	s18 =	sadd.s32 $0x40, s18;
	[tilespmem:s15+$0x1830 ss:$0x81] =	vst.msk $0xffff, v3  }
.Ltmp4:
0x3a: {  	_ = 	snop;
	(pc) =	sbr.rel .LBB1_4-.Ltmp4, $1  }
0x3b: {  	_ =	sdelay $0x3  }
.LBB1_6:
0x3c: {  	_ =	sfence.sel $0x180000  }
0x3d: {  	s2 =	simm.s32 $0x1;
	[bflag:$0x0] =	sbarrier.arrive $0xFFFF  }
0x3e: {  	s31 =	simm.s32 $0x2;
	[sflag:s2] =	ssyncpa.u1 $0x1  }
0x3f: {  	[sflag:s31] =	ssyncpa.u1 $0x1  }
0x40: {  	p0 =	sne.s32 s0, $0x0;
	_ =	strace $0x9000004A  }
0x41: {  	s0 =	sadd.s32 @!p0 $0x100000, s1;
	[bflag:$0x2] =	sbarrier.arrive $0xFFFF  }
0x42: {  	[sflag:s0] =	ssyncadd.tile.s32 @!p0 $0x1;
	_ =	shalt  }
.Lfunc_end1:
_tile_overlayer_lowered:
.L_overlay_start_2:
0x43: {  	(tag) =	ssettag $0x2  }
0x44: {  	s0 =	rddreg [dreg:$0x0];
	s2 =	stileid.u32  }
0x45: {  	s1 =	rddreg [dreg:$0x1];
	p0 =	sne.s32 s2, $0x0  }
0x46: {  	s3 =	rddreg [dreg:$0x2];
	[bflag:$0x3] =	sbarrier.arrive $0xFFFF;
	s2 =	simm.s32 @!p0 $0x1C01  }
0x47: {  	[timem:s3], [sflag:s2] =	dma.local @!p0 [hbm:s0], s1  }
0x48: {  	s0 =	simm.s32 @!p0 $0x1  }
0x49: {  	_ =	swait.ge @!p0 [sflag:s0], s1  }
0x4a: {  	s1 =	ssub.s32 @!p0 $0x0, s1;
	[sflag:s0] =	ssyncset.done @!p0 $0x0  }
0x4b: {  	[sflag:s0] =	ssyncadd.s32 @!p0 s1  }
0x4c: {  	[bflag:$0x3] =	sbarrier.arrive $0xFFFF  }
0x4d: {  	_ =	shalt  }

</sc_bundles>
